<compile_context>
chip_gen: v7x
topology: tpu7x:2x2x1
jax: 0.10.2.dev20260603
libtpu: 0.0.44.dev20260713+nightly
codegen_flags: <defaults>
</compile_context>

<pallas_src>
import functools

import jax
import jax.numpy as jnp
from jax import lax
from jax.experimental import pallas as pl
from jax.experimental.pallas import tpu as pltpu
from jax.experimental.pallas import tpu_sc as plsc

N_NODES = 10000
N_EDGES = 320000
D_FEAT = 128

NC = 2
NS = 16
NW = NC * NS
CHUNK = 40
EDGES_PER_W = N_EDGES // NW
CHUNKS_PER_W = EDGES_PER_W // CHUNK
N_PAD = 10240
ROWS_PER_TILE = N_PAD // NS
NB = 10

_mesh = plsc.VectorSubcoreMesh(core_axis_name="c", subcore_axis_name="s")


@functools.partial(
    pl.kernel,
    mesh=_mesh,
    compiler_params=pltpu.CompilerParams(use_tc_tiling_on_sc=False),
    out_type=[jax.ShapeDtypeStruct((N_PAD, D_FEAT), jnp.bfloat16)
              for _ in range(NC)],
    scratch_types=[
        pltpu.VMEM((CHUNKS_PER_W, CHUNK), jnp.int32),
        pltpu.VMEM((CHUNKS_PER_W, CHUNK), jnp.int32),
        [pltpu.VMEM((CHUNK, D_FEAT), jnp.bfloat16) for _ in range(NB)],
        pltpu.VMEM_SHARED((N_PAD, D_FEAT), jnp.bfloat16),
        [pltpu.SemaphoreType.DMA for _ in range(NB)],
        [pltpu.SemaphoreType.DMA for _ in range(NB)],
    ],
)
def _sc_aggregate(nodes_hbm, edges_hbm, out0_hbm, out1_hbm,
                  src_v, dst_v, bufs, acc, gsems, ssems):
    c = lax.axis_index("c")
    s = lax.axis_index("s")
    wid = c * NS + s
    row0 = s * ROWS_PER_TILE

    chunk0 = wid * CHUNKS_PER_W
    pltpu.sync_copy(edges_hbm.at[0, pl.ds(chunk0, CHUNKS_PER_W)], src_v)
    pltpu.sync_copy(edges_hbm.at[1, pl.ds(chunk0, CHUNKS_PER_W)], dst_v)

    def gather(j, b):
        pltpu.async_copy(nodes_hbm.at[src_v.at[j]], bufs[b], gsems[b])

    def wait_gather(j, b):
        pltpu.make_async_copy(nodes_hbm.at[src_v.at[j]],
                              bufs[b], gsems[b]).wait()

    def scatter(j, b):
        pltpu.async_copy(bufs[b], acc.at[dst_v.at[j]], ssems[b], add=True)

    def wait_scatter(j, b):
        pltpu.make_async_copy(bufs[b], acc.at[dst_v.at[j]], ssems[b]).wait()

    for b in range(1, NB):
        gather(b, b)
    @pl.loop(0, CHUNK)
    def _zrow(r):
        for c32 in range(D_FEAT // 32):
            bufs[0][r, pl.ds(c32 * 32, 32)] = jnp.zeros((32,), jnp.bfloat16)
    for k in range(ROWS_PER_TILE // CHUNK):
        pltpu.sync_copy(bufs[0], acc.at[pl.ds(row0 + k * CHUNK, CHUNK)])
    plsc.subcore_barrier()
    gather(0, 0)

    @pl.loop(0, CHUNKS_PER_W, step=NB)
    def _(g):
        for b in range(NB):
            j = g + b
            b2 = (b + NB - 1) % NB
            wait_gather(j, b)
            scatter(j, b)

            @pl.when((j >= 1) & (j + NB - 1 < CHUNKS_PER_W))
            def _recycle():
                wait_scatter(j - 1, b2)
                gather(j + NB - 1, b2)

            @pl.when((j >= 1) & (j + NB - 1 >= CHUNKS_PER_W))
            def _drain():
                wait_scatter(j - 1, b2)

    wait_scatter(CHUNKS_PER_W - 1, (CHUNKS_PER_W - 1) % NB)

    plsc.subcore_barrier()

    @pl.when(c == 0)
    def _out0():
        pltpu.sync_copy(acc.at[pl.ds(row0, ROWS_PER_TILE)],
                        out0_hbm.at[pl.ds(row0, ROWS_PER_TILE)])

    @pl.when(c == 1)
    def _out1():
        pltpu.sync_copy(acc.at[pl.ds(row0, ROWS_PER_TILE)],
                        out1_hbm.at[pl.ds(row0, ROWS_PER_TILE)])


def _combine_body(p0_ref, p1_ref, o_ref):
    a = jnp.reshape(p0_ref[...], (_ROWS_BLK, D_FEAT)).astype(jnp.float32)
    b = jnp.reshape(p1_ref[...], (_ROWS_BLK, D_FEAT)).astype(jnp.float32)
    o_ref[...] = a + b


_ROWS_BLK = 1000


def _combine(p0, p1):
    return pl.pallas_call(
        _combine_body,
        grid=(N_NODES // _ROWS_BLK,),
        in_specs=[pl.BlockSpec((_ROWS_BLK * D_FEAT,), lambda i: (i,)),
                  pl.BlockSpec((_ROWS_BLK * D_FEAT,), lambda i: (i,))],
        out_specs=pl.BlockSpec((_ROWS_BLK, D_FEAT), lambda i: (i, 0)),
        out_shape=jax.ShapeDtypeStruct((N_NODES, D_FEAT), jnp.float32),
    )(p0, p1)


def kernel(node_features, edge_index):
    edges = edge_index.astype(jnp.int32).reshape(2, N_EDGES // CHUNK, CHUNK)
    nodes_bf = node_features.astype(jnp.bfloat16)
    p0, p1 = _sc_aggregate(nodes_bf, edges)
    return _combine(p0.reshape(N_PAD * D_FEAT), p1.reshape(N_PAD * D_FEAT))

# --- scband reference (transcript-rebuilt; emitter-appended) ---
"""Pipeline reference for scband-gnnlayer-14113262535121 (READ-ONLY COPY).

The authoritative reference and input builder live on the scoring server;
editing this copy changes nothing except your own understanding.
"""

import jax, jax.numpy as jnp
import numpy as np

N_NODES = 10000
N_EDGES = 320000
D_FEAT = 128

def setup_inputs(seed: int = 0) -> dict:
    key = jax.random.key(seed)
    k1, k2 = jax.random.split(key)
    node_features = jax.random.normal(k1, (N_NODES, D_FEAT), dtype=jnp.float32)
    edge_index = jax.random.randint(k2, (2, N_EDGES), 0, N_NODES, dtype=jnp.int64)
    return {"node_features": node_features, "edge_index": edge_index}

def reference(node_features, edge_index):
    source_nodes = edge_index[0]
    dest_nodes = edge_index[1]
    neighbor_features = node_features[source_nodes]
    aggregated_features = jnp.zeros_like(node_features).at[dest_nodes].add(neighbor_features)
    return aggregated_features

if __name__ == "__main__":
    import jax
    _d = setup_inputs()
    print(jax.jit(kernel)(*tuple(_d.values())))

</pallas_src>

<mosaic_0001>
#map = affine_map<(d0, d1) -> (0, 0)>
#map1 = affine_map<(d0, d1) -> (0, 0, 0)>
module attributes {stable_mosaic.version = 14 : i64} {
  func.func @_sc_aggregate(%arg0: i32, %arg1: i32, %arg2: memref<10000x128xbf16, #tpu.memory_space<hbm>>, %arg3: memref<2x8000x40xi32, #tpu.memory_space<hbm>>, %arg4: memref<10240x128xbf16, #tpu.memory_space<hbm>>, %arg5: memref<10240x128xbf16, #tpu.memory_space<hbm>>, %arg6: memref<250x40xi32, #tpu.memory_space<vmem>>, %arg7: memref<250x40xi32, #tpu.memory_space<vmem>>, %arg8: memref<40x128xbf16, #tpu.memory_space<vmem>>, %arg9: memref<40x128xbf16, #tpu.memory_space<vmem>>, %arg10: memref<40x128xbf16, #tpu.memory_space<vmem>>, %arg11: memref<40x128xbf16, #tpu.memory_space<vmem>>, %arg12: memref<40x128xbf16, #tpu.memory_space<vmem>>, %arg13: memref<40x128xbf16, #tpu.memory_space<vmem>>, %arg14: memref<40x128xbf16, #tpu.memory_space<vmem>>, %arg15: memref<40x128xbf16, #tpu.memory_space<vmem>>, %arg16: memref<40x128xbf16, #tpu.memory_space<vmem>>, %arg17: memref<40x128xbf16, #tpu.memory_space<vmem>>, %arg18: memref<10240x128xbf16, #tpu.memory_space<vmem_shared>>, %arg19: memref<!tpu.dma_semaphore, #tpu.memory_space<semaphore_mem>>, %arg20: memref<!tpu.dma_semaphore, #tpu.memory_space<semaphore_mem>>, %arg21: memref<!tpu.dma_semaphore, #tpu.memory_space<semaphore_mem>>, %arg22: memref<!tpu.dma_semaphore, #tpu.memory_space<semaphore_mem>>, %arg23: memref<!tpu.dma_semaphore, #tpu.memory_space<semaphore_mem>>, %arg24: memref<!tpu.dma_semaphore, #tpu.memory_space<semaphore_mem>>, %arg25: memref<!tpu.dma_semaphore, #tpu.memory_space<semaphore_mem>>, %arg26: memref<!tpu.dma_semaphore, #tpu.memory_space<semaphore_mem>>, %arg27: memref<!tpu.dma_semaphore, #tpu.memory_space<semaphore_mem>>, %arg28: memref<!tpu.dma_semaphore, #tpu.memory_space<semaphore_mem>>, %arg29: memref<!tpu.dma_semaphore, #tpu.memory_space<semaphore_mem>>, %arg30: memref<!tpu.dma_semaphore, #tpu.memory_space<semaphore_mem>>, %arg31: memref<!tpu.dma_semaphore, #tpu.memory_space<semaphore_mem>>, %arg32: memref<!tpu.dma_semaphore, #tpu.memory_space<semaphore_mem>>, %arg33: memref<!tpu.dma_semaphore, #tpu.memory_space<semaphore_mem>>, %arg34: memref<!tpu.dma_semaphore, #tpu.memory_space<semaphore_mem>>, %arg35: memref<!tpu.dma_semaphore, #tpu.memory_space<semaphore_mem>>, %arg36: memref<!tpu.dma_semaphore, #tpu.memory_space<semaphore_mem>>, %arg37: memref<!tpu.dma_semaphore, #tpu.memory_space<semaphore_mem>>, %arg38: memref<!tpu.dma_semaphore, #tpu.memory_space<semaphore_mem>>) attributes {dimension_semantics = [#tpu.dimension_semantics<core_parallel>, #tpu.dimension_semantics<subcore_parallel>], iteration_bounds = array<i64: 2, 16>, scalar_prefetch = 0 : i64, scratch_operands = 33 : i64, tpu.core_type = #tpu.core_type<sc_vector_subcore>, window_params = [{transform_indices = #map}, {transform_indices = #map1}, {transform_indices = #map}, {transform_indices = #map}]} {
    %mul3A = arith.constant 16 : i32
    %mul3A_0 = arith.muli %arg0, %mul3A : i32
    %add3A = arith.addi %mul3A_0, %arg1 : i32
    %mul3A_1 = arith.constant 640 : i32
    %mul3A_2 = arith.muli %arg1, %mul3A_1 : i32
    %mul3A_3 = arith.constant 250 : i32
    %mul3A_4 = arith.muli %add3A, %mul3A_3 : i32
    %run_scoped3A = arith.constant 0 : i32
    "tpu.region"() ({
      %run_scoped3A_130 = tpu.sem_alloc : memref<!tpu.dma_semaphore, #tpu.memory_space<semaphore_mem>>
      %dma_start3A_131 = arith.constant 0 : i32
      %dma_start3A_132 = tpu.memref_slice %arg3[%run_scoped3A, %mul3A_4, %dma_start3A_131] : memref<2x8000x40xi32, #tpu.memory_space<hbm>> -> memref<1x250x40xi32, #tpu.memory_space<hbm>>
      %dma_start3A_133 = tpu.memref_squeeze %dma_start3A_132 : memref<1x250x40xi32, #tpu.memory_space<hbm>> -> memref<250x40xi32, #tpu.memory_space<hbm>>
      %dma_start3A_134 = arith.constant 0 : i32
      %dma_start3A_135 = tpu.memref_slice %arg3[%run_scoped3A, %mul3A_4, %dma_start3A_134] : memref<2x8000x40xi32, #tpu.memory_space<hbm>> -> memref<1x250x40xi32, #tpu.memory_space<hbm>>
      %dma_start3A_136 = tpu.memref_squeeze %dma_start3A_135 : memref<1x250x40xi32, #tpu.memory_space<hbm>> -> memref<250x40xi32, #tpu.memory_space<hbm>>
      tpu.enqueue_dma source(%dma_start3A_136 : memref<250x40xi32, #tpu.memory_space<hbm>>) target(%arg6 : memref<250x40xi32, #tpu.memory_space<vmem>>) target_semaphore(%run_scoped3A_130 : memref<!tpu.dma_semaphore, #tpu.memory_space<semaphore_mem>>)
      %dma_wait3A_137 = arith.constant 0 : i32
      %dma_wait3A_138 = tpu.memref_slice %arg3[%run_scoped3A, %mul3A_4, %dma_wait3A_137] : memref<2x8000x40xi32, #tpu.memory_space<hbm>> -> memref<1x250x40xi32, #tpu.memory_space<hbm>>
      %dma_wait3A_139 = tpu.memref_squeeze %dma_wait3A_138 : memref<1x250x40xi32, #tpu.memory_space<hbm>> -> memref<250x40xi32, #tpu.memory_space<hbm>>
      %dma_wait3A_140 = arith.constant 0 : i32
      %dma_wait3A_141 = tpu.memref_slice %arg3[%run_scoped3A, %mul3A_4, %dma_wait3A_140] : memref<2x8000x40xi32, #tpu.memory_space<hbm>> -> memref<1x250x40xi32, #tpu.memory_space<hbm>>
      %dma_wait3A_142 = tpu.memref_squeeze %dma_wait3A_141 : memref<1x250x40xi32, #tpu.memory_space<hbm>> -> memref<250x40xi32, #tpu.memory_space<hbm>>
      tpu.wait_dma2 semaphore(%run_scoped3A_130 : memref<!tpu.dma_semaphore, #tpu.memory_space<semaphore_mem>>) src(%dma_wait3A_142 : memref<250x40xi32, #tpu.memory_space<hbm>>) dst(%arg6 : memref<250x40xi32, #tpu.memory_space<vmem>>)
      tpu.yield
    }) : () -> ()
    %run_scoped3A_5 = arith.constant 1 : i32
    "tpu.region"() ({
      %run_scoped3A_130 = tpu.sem_alloc : memref<!tpu.dma_semaphore, #tpu.memory_space<semaphore_mem>>
      %dma_start3A_131 = arith.constant 0 : i32
      %dma_start3A_132 = tpu.memref_slice %arg3[%run_scoped3A_5, %mul3A_4, %dma_start3A_131] : memref<2x8000x40xi32, #tpu.memory_space<hbm>> -> memref<1x250x40xi32, #tpu.memory_space<hbm>>
      %dma_start3A_133 = tpu.memref_squeeze %dma_start3A_132 : memref<1x250x40xi32, #tpu.memory_space<hbm>> -> memref<250x40xi32, #tpu.memory_space<hbm>>
      %dma_start3A_134 = arith.constant 0 : i32
      %dma_start3A_135 = tpu.memref_slice %arg3[%run_scoped3A_5, %mul3A_4, %dma_start3A_134] : memref<2x8000x40xi32, #tpu.memory_space<hbm>> -> memref<1x250x40xi32, #tpu.memory_space<hbm>>
      %dma_start3A_136 = tpu.memref_squeeze %dma_start3A_135 : memref<1x250x40xi32, #tpu.memory_space<hbm>> -> memref<250x40xi32, #tpu.memory_space<hbm>>
      tpu.enqueue_dma source(%dma_start3A_136 : memref<250x40xi32, #tpu.memory_space<hbm>>) target(%arg7 : memref<250x40xi32, #tpu.memory_space<vmem>>) target_semaphore(%run_scoped3A_130 : memref<!tpu.dma_semaphore, #tpu.memory_space<semaphore_mem>>)
      %dma_wait3A_137 = arith.constant 0 : i32
      %dma_wait3A_138 = tpu.memref_slice %arg3[%run_scoped3A_5, %mul3A_4, %dma_wait3A_137] : memref<2x8000x40xi32, #tpu.memory_space<hbm>> -> memref<1x250x40xi32, #tpu.memory_space<hbm>>
      %dma_wait3A_139 = tpu.memref_squeeze %dma_wait3A_138 : memref<1x250x40xi32, #tpu.memory_space<hbm>> -> memref<250x40xi32, #tpu.memory_space<hbm>>
      %dma_wait3A_140 = arith.constant 0 : i32
      %dma_wait3A_141 = tpu.memref_slice %arg3[%run_scoped3A_5, %mul3A_4, %dma_wait3A_140] : memref<2x8000x40xi32, #tpu.memory_space<hbm>> -> memref<1x250x40xi32, #tpu.memory_space<hbm>>
      %dma_wait3A_142 = tpu.memref_squeeze %dma_wait3A_141 : memref<1x250x40xi32, #tpu.memory_space<hbm>> -> memref<250x40xi32, #tpu.memory_space<hbm>>
      tpu.wait_dma2 semaphore(%run_scoped3A_130 : memref<!tpu.dma_semaphore, #tpu.memory_space<semaphore_mem>>) src(%dma_wait3A_142 : memref<250x40xi32, #tpu.memory_space<hbm>>) dst(%arg7 : memref<250x40xi32, #tpu.memory_space<vmem>>)
      tpu.yield
    }) : () -> ()
    %dma_start3A = arith.constant 1 : i32
    %dma_start3A_6 = arith.constant 0 : i32
    %dma_start3A_7 = tpu.memref_slice %arg6[%dma_start3A, %dma_start3A_6] : memref<250x40xi32, #tpu.memory_space<vmem>> -> memref<1x40xi32, #tpu.memory_space<vmem>>
    %dma_start3A_8 = tpu.memref_squeeze %dma_start3A_7 : memref<1x40xi32, #tpu.memory_space<vmem>> -> memref<40xi32, #tpu.memory_space<vmem>>
    %dma_start3A_9 = arith.constant 0 : i32
    %dma_start3A_10 = arith.constant 0 : i32
    %dma_start3A_11 = tpu.memref_slice %arg2[%dma_start3A_9, %dma_start3A_10] : memref<10000x128xbf16, #tpu.memory_space<hbm>> -> memref<10000x128xbf16, #tpu.memory_space<hbm>>
    tpu.enqueue_indirect_dma source(%dma_start3A_11 : memref<10000x128xbf16, #tpu.memory_space<hbm>>) target(%arg9 : memref<40x128xbf16, #tpu.memory_space<vmem>>) offsets(%dma_start3A_8 : memref<40xi32, #tpu.memory_space<vmem>>) semaphore(%arg20 : memref<!tpu.dma_semaphore, #tpu.memory_space<semaphore_mem>>)
    %dma_start3A_12 = arith.constant 2 : i32
    %dma_start3A_13 = arith.constant 0 : i32
    %dma_start3A_14 = tpu.memref_slice %arg6[%dma_start3A_12, %dma_start3A_13] : memref<250x40xi32, #tpu.memory_space<vmem>> -> memref<1x40xi32, #tpu.memory_space<vmem>>
    %dma_start3A_15 = tpu.memref_squeeze %dma_start3A_14 : memref<1x40xi32, #tpu.memory_space<vmem>> -> memref<40xi32, #tpu.memory_space<vmem>>
    %dma_start3A_16 = arith.constant 0 : i32
    %dma_start3A_17 = arith.constant 0 : i32
    %dma_start3A_18 = tpu.memref_slice %arg2[%dma_start3A_16, %dma_start3A_17] : memref<10000x128xbf16, #tpu.memory_space<hbm>> -> memref<10000x128xbf16, #tpu.memory_space<hbm>>
    tpu.enqueue_indirect_dma source(%dma_start3A_18 : memref<10000x128xbf16, #tpu.memory_space<hbm>>) target(%arg10 : memref<40x128xbf16, #tpu.memory_space<vmem>>) offsets(%dma_start3A_15 : memref<40xi32, #tpu.memory_space<vmem>>) semaphore(%arg21 : memref<!tpu.dma_semaphore, #tpu.memory_space<semaphore_mem>>)
    %dma_start3A_19 = arith.constant 3 : i32
    %dma_start3A_20 = arith.constant 0 : i32
    %dma_start3A_21 = tpu.memref_slice %arg6[%dma_start3A_19, %dma_start3A_20] : memref<250x40xi32, #tpu.memory_space<vmem>> -> memref<1x40xi32, #tpu.memory_space<vmem>>
    %dma_start3A_22 = tpu.memref_squeeze %dma_start3A_21 : memref<1x40xi32, #tpu.memory_space<vmem>> -> memref<40xi32, #tpu.memory_space<vmem>>
    %dma_start3A_23 = arith.constant 0 : i32
    %dma_start3A_24 = arith.constant 0 : i32
    %dma_start3A_25 = tpu.memref_slice %arg2[%dma_start3A_23, %dma_start3A_24] : memref<10000x128xbf16, #tpu.memory_space<hbm>> -> memref<10000x128xbf16, #tpu.memory_space<hbm>>
    tpu.enqueue_indirect_dma source(%dma_start3A_25 : memref<10000x128xbf16, #tpu.memory_space<hbm>>) target(%arg11 : memref<40x128xbf16, #tpu.memory_space<vmem>>) offsets(%dma_start3A_22 : memref<40xi32, #tpu.memory_space<vmem>>) semaphore(%arg22 : memref<!tpu.dma_semaphore, #tpu.memory_space<semaphore_mem>>)
    %dma_start3A_26 = arith.constant 4 : i32
    %dma_start3A_27 = arith.constant 0 : i32
    %dma_start3A_28 = tpu.memref_slice %arg6[%dma_start3A_26, %dma_start3A_27] : memref<250x40xi32, #tpu.memory_space<vmem>> -> memref<1x40xi32, #tpu.memory_space<vmem>>
    %dma_start3A_29 = tpu.memref_squeeze %dma_start3A_28 : memref<1x40xi32, #tpu.memory_space<vmem>> -> memref<40xi32, #tpu.memory_space<vmem>>
    %dma_start3A_30 = arith.constant 0 : i32
    %dma_start3A_31 = arith.constant 0 : i32
    %dma_start3A_32 = tpu.memref_slice %arg2[%dma_start3A_30, %dma_start3A_31] : memref<10000x128xbf16, #tpu.memory_space<hbm>> -> memref<10000x128xbf16, #tpu.memory_space<hbm>>
    tpu.enqueue_indirect_dma source(%dma_start3A_32 : memref<10000x128xbf16, #tpu.memory_space<hbm>>) target(%arg12 : memref<40x128xbf16, #tpu.memory_space<vmem>>) offsets(%dma_start3A_29 : memref<40xi32, #tpu.memory_space<vmem>>) semaphore(%arg23 : memref<!tpu.dma_semaphore, #tpu.memory_space<semaphore_mem>>)
    %dma_start3A_33 = arith.constant 5 : i32
    %dma_start3A_34 = arith.constant 0 : i32
    %dma_start3A_35 = tpu.memref_slice %arg6[%dma_start3A_33, %dma_start3A_34] : memref<250x40xi32, #tpu.memory_space<vmem>> -> memref<1x40xi32, #tpu.memory_space<vmem>>
    %dma_start3A_36 = tpu.memref_squeeze %dma_start3A_35 : memref<1x40xi32, #tpu.memory_space<vmem>> -> memref<40xi32, #tpu.memory_space<vmem>>
    %dma_start3A_37 = arith.constant 0 : i32
    %dma_start3A_38 = arith.constant 0 : i32
    %dma_start3A_39 = tpu.memref_slice %arg2[%dma_start3A_37, %dma_start3A_38] : memref<10000x128xbf16, #tpu.memory_space<hbm>> -> memref<10000x128xbf16, #tpu.memory_space<hbm>>
    tpu.enqueue_indirect_dma source(%dma_start3A_39 : memref<10000x128xbf16, #tpu.memory_space<hbm>>) target(%arg13 : memref<40x128xbf16, #tpu.memory_space<vmem>>) offsets(%dma_start3A_36 : memref<40xi32, #tpu.memory_space<vmem>>) semaphore(%arg24 : memref<!tpu.dma_semaphore, #tpu.memory_space<semaphore_mem>>)
    %dma_start3A_40 = arith.constant 6 : i32
    %dma_start3A_41 = arith.constant 0 : i32
    %dma_start3A_42 = tpu.memref_slice %arg6[%dma_start3A_40, %dma_start3A_41] : memref<250x40xi32, #tpu.memory_space<vmem>> -> memref<1x40xi32, #tpu.memory_space<vmem>>
    %dma_start3A_43 = tpu.memref_squeeze %dma_start3A_42 : memref<1x40xi32, #tpu.memory_space<vmem>> -> memref<40xi32, #tpu.memory_space<vmem>>
    %dma_start3A_44 = arith.constant 0 : i32
    %dma_start3A_45 = arith.constant 0 : i32
    %dma_start3A_46 = tpu.memref_slice %arg2[%dma_start3A_44, %dma_start3A_45] : memref<10000x128xbf16, #tpu.memory_space<hbm>> -> memref<10000x128xbf16, #tpu.memory_space<hbm>>
    tpu.enqueue_indirect_dma source(%dma_start3A_46 : memref<10000x128xbf16, #tpu.memory_space<hbm>>) target(%arg14 : memref<40x128xbf16, #tpu.memory_space<vmem>>) offsets(%dma_start3A_43 : memref<40xi32, #tpu.memory_space<vmem>>) semaphore(%arg25 : memref<!tpu.dma_semaphore, #tpu.memory_space<semaphore_mem>>)
    %dma_start3A_47 = arith.constant 7 : i32
    %dma_start3A_48 = arith.constant 0 : i32
    %dma_start3A_49 = tpu.memref_slice %arg6[%dma_start3A_47, %dma_start3A_48] : memref<250x40xi32, #tpu.memory_space<vmem>> -> memref<1x40xi32, #tpu.memory_space<vmem>>
    %dma_start3A_50 = tpu.memref_squeeze %dma_start3A_49 : memref<1x40xi32, #tpu.memory_space<vmem>> -> memref<40xi32, #tpu.memory_space<vmem>>
    %dma_start3A_51 = arith.constant 0 : i32
    %dma_start3A_52 = arith.constant 0 : i32
    %dma_start3A_53 = tpu.memref_slice %arg2[%dma_start3A_51, %dma_start3A_52] : memref<10000x128xbf16, #tpu.memory_space<hbm>> -> memref<10000x128xbf16, #tpu.memory_space<hbm>>
    tpu.enqueue_indirect_dma source(%dma_start3A_53 : memref<10000x128xbf16, #tpu.memory_space<hbm>>) target(%arg15 : memref<40x128xbf16, #tpu.memory_space<vmem>>) offsets(%dma_start3A_50 : memref<40xi32, #tpu.memory_space<vmem>>) semaphore(%arg26 : memref<!tpu.dma_semaphore, #tpu.memory_space<semaphore_mem>>)
    %dma_start3A_54 = arith.constant 8 : i32
    %dma_start3A_55 = arith.constant 0 : i32
    %dma_start3A_56 = tpu.memref_slice %arg6[%dma_start3A_54, %dma_start3A_55] : memref<250x40xi32, #tpu.memory_space<vmem>> -> memref<1x40xi32, #tpu.memory_space<vmem>>
    %dma_start3A_57 = tpu.memref_squeeze %dma_start3A_56 : memref<1x40xi32, #tpu.memory_space<vmem>> -> memref<40xi32, #tpu.memory_space<vmem>>
    %dma_start3A_58 = arith.constant 0 : i32
    %dma_start3A_59 = arith.constant 0 : i32
    %dma_start3A_60 = tpu.memref_slice %arg2[%dma_start3A_58, %dma_start3A_59] : memref<10000x128xbf16, #tpu.memory_space<hbm>> -> memref<10000x128xbf16, #tpu.memory_space<hbm>>
    tpu.enqueue_indirect_dma source(%dma_start3A_60 : memref<10000x128xbf16, #tpu.memory_space<hbm>>) target(%arg16 : memref<40x128xbf16, #tpu.memory_space<vmem>>) offsets(%dma_start3A_57 : memref<40xi32, #tpu.memory_space<vmem>>) semaphore(%arg27 : memref<!tpu.dma_semaphore, #tpu.memory_space<semaphore_mem>>)
    %dma_start3A_61 = arith.constant 9 : i32
    %dma_start3A_62 = arith.constant 0 : i32
    %dma_start3A_63 = tpu.memref_slice %arg6[%dma_start3A_61, %dma_start3A_62] : memref<250x40xi32, #tpu.memory_space<vmem>> -> memref<1x40xi32, #tpu.memory_space<vmem>>
    %dma_start3A_64 = tpu.memref_squeeze %dma_start3A_63 : memref<1x40xi32, #tpu.memory_space<vmem>> -> memref<40xi32, #tpu.memory_space<vmem>>
    %dma_start3A_65 = arith.constant 0 : i32
    %dma_start3A_66 = arith.constant 0 : i32
    %dma_start3A_67 = tpu.memref_slice %arg2[%dma_start3A_65, %dma_start3A_66] : memref<10000x128xbf16, #tpu.memory_space<hbm>> -> memref<10000x128xbf16, #tpu.memory_space<hbm>>
    tpu.enqueue_indirect_dma source(%dma_start3A_67 : memref<10000x128xbf16, #tpu.memory_space<hbm>>) target(%arg17 : memref<40x128xbf16, #tpu.memory_space<vmem>>) offsets(%dma_start3A_64 : memref<40xi32, #tpu.memory_space<vmem>>) semaphore(%arg28 : memref<!tpu.dma_semaphore, #tpu.memory_space<semaphore_mem>>)
    %scan3A = arith.constant 0 : i32
    %scan3A_68 = arith.constant 40 : i32
    %scan3A_69 = arith.addi %scan3A, %scan3A_68 : i32
    %scan3A_70 = arith.constant 1 : i32
    scf.for %scan3A_130 = %scan3A to %scan3A_69 step %scan3A_70  : i32 {
      %mul3A_131 = arith.constant 1 : i32
      %mul3A_132 = arith.muli %scan3A_130, %mul3A_131 : i32
      %add3A_133 = arith.constant 0 : i32
      %add3A_134 = arith.addi %add3A_133, %mul3A_132 : i32
      %broadcast_in_dim3A = arith.constant 0.000000e+00 : bf16
      %broadcast_in_dim3A_135 = vector.broadcast %broadcast_in_dim3A : bf16 to vector<32xbf16>
      %swap3A = arith.index_cast %add3A_134 : i32 to index
      %swap3A_136 = arith.constant 0 : index
      %swap3A_137 = tpu.vector_load %arg8[%swap3A, %swap3A_136] {strides = array<i32>} : memref<40x128xbf16, #tpu.memory_space<vmem>>, vector<1x32xbf16>,
      %swap3A_138 = vector.shape_cast %swap3A_137 : vector<1x32xbf16> to vector<32xbf16>
      %swap3A_139 = vector.shape_cast %broadcast_in_dim3A_135 : vector<32xbf16> to vector<1x32xbf16>
      tpu.vector_store %arg8[%swap3A, %swap3A_136], %swap3A_139 {strides = array<i32>} : memref<40x128xbf16, #tpu.memory_space<vmem>>, vector<1x32xbf16>,
      %broadcast_in_dim3A_140 = arith.constant 0.000000e+00 : bf16
      %broadcast_in_dim3A_141 = vector.broadcast %broadcast_in_dim3A_140 : bf16 to vector<32xbf16>
      %swap3A_142 = arith.index_cast %add3A_134 : i32 to index
      %swap3A_143 = arith.constant 32 : index
      %swap3A_144 = tpu.vector_load %arg8[%swap3A_142, %swap3A_143] {strides = array<i32>} : memref<40x128xbf16, #tpu.memory_space<vmem>>, vector<1x32xbf16>,
      %swap3A_145 = vector.shape_cast %swap3A_144 : vector<1x32xbf16> to vector<32xbf16>
      %swap3A_146 = vector.shape_cast %broadcast_in_dim3A_141 : vector<32xbf16> to vector<1x32xbf16>
      tpu.vector_store %arg8[%swap3A_142, %swap3A_143], %swap3A_146 {strides = array<i32>} : memref<40x128xbf16, #tpu.memory_space<vmem>>, vector<1x32xbf16>,
      %broadcast_in_dim3A_147 = arith.constant 0.000000e+00 : bf16
      %broadcast_in_dim3A_148 = vector.broadcast %broadcast_in_dim3A_147 : bf16 to vector<32xbf16>
      %swap3A_149 = arith.index_cast %add3A_134 : i32 to index
      %swap3A_150 = arith.constant 64 : index
      %swap3A_151 = tpu.vector_load %arg8[%swap3A_149, %swap3A_150] {strides = array<i32>} : memref<40x128xbf16, #tpu.memory_space<vmem>>, vector<1x32xbf16>,
      %swap3A_152 = vector.shape_cast %swap3A_151 : vector<1x32xbf16> to vector<32xbf16>
      %swap3A_153 = vector.shape_cast %broadcast_in_dim3A_148 : vector<32xbf16> to vector<1x32xbf16>
      tpu.vector_store %arg8[%swap3A_149, %swap3A_150], %swap3A_153 {strides = array<i32>} : memref<40x128xbf16, #tpu.memory_space<vmem>>, vector<1x32xbf16>,
      %broadcast_in_dim3A_154 = arith.constant 0.000000e+00 : bf16
      %broadcast_in_dim3A_155 = vector.broadcast %broadcast_in_dim3A_154 : bf16 to vector<32xbf16>
      %swap3A_156 = arith.index_cast %add3A_134 : i32 to index
      %swap3A_157 = arith.constant 96 : index
      %swap3A_158 = tpu.vector_load %arg8[%swap3A_156, %swap3A_157] {strides = array<i32>} : memref<40x128xbf16, #tpu.memory_space<vmem>>, vector<1x32xbf16>,
      %swap3A_159 = vector.shape_cast %swap3A_158 : vector<1x32xbf16> to vector<32xbf16>
      %swap3A_160 = vector.shape_cast %broadcast_in_dim3A_155 : vector<32xbf16> to vector<1x32xbf16>
      tpu.vector_store %arg8[%swap3A_156, %swap3A_157], %swap3A_160 {strides = array<i32>} : memref<40x128xbf16, #tpu.memory_space<vmem>>, vector<1x32xbf16>,
    }
    %scan3A_71 = arith.constant 40 : i32
    %add3A_72 = arith.constant 0 : i32
    %add3A_73 = arith.addi %mul3A_2, %add3A_72 : i32
    "tpu.region"() ({
      %run_scoped3A_130 = tpu.sem_alloc : memref<!tpu.dma_semaphore, #tpu.memory_space<semaphore_mem>>
      %dma_start3A_131 = arith.constant 0 : i32
      %dma_start3A_132 = tpu.memref_slice %arg18[%add3A_73, %dma_start3A_131] : memref<10240x128xbf16, #tpu.memory_space<vmem_shared>> -> memref<40x128xbf16, #tpu.memory_space<vmem_shared>>
      %dma_start3A_133 = arith.constant 0 : i32
      %dma_start3A_134 = tpu.memref_slice %arg18[%add3A_73, %dma_start3A_133] : memref<10240x128xbf16, #tpu.memory_space<vmem_shared>> -> memref<40x128xbf16, #tpu.memory_space<vmem_shared>>
      tpu.enqueue_dma source(%arg8 : memref<40x128xbf16, #tpu.memory_space<vmem>>) target(%dma_start3A_134 : memref<40x128xbf16, #tpu.memory_space<vmem_shared>>) target_semaphore(%run_scoped3A_130 : memref<!tpu.dma_semaphore, #tpu.memory_space<semaphore_mem>>)
      %dma_wait3A_135 = arith.constant 0 : i32
      %dma_wait3A_136 = tpu.memref_slice %arg18[%add3A_73, %dma_wait3A_135] : memref<10240x128xbf16, #tpu.memory_space<vmem_shared>> -> memref<40x128xbf16, #tpu.memory_space<vmem_shared>>
      %dma_wait3A_137 = arith.constant 0 : i32
      %dma_wait3A_138 = tpu.memref_slice %arg18[%add3A_73, %dma_wait3A_137] : memref<10240x128xbf16, #tpu.memory_space<vmem_shared>> -> memref<40x128xbf16, #tpu.memory_space<vmem_shared>>
      tpu.wait_dma2 semaphore(%run_scoped3A_130 : memref<!tpu.dma_semaphore, #tpu.memory_space<semaphore_mem>>) src(%arg8 : memref<40x128xbf16, #tpu.memory_space<vmem>>) dst(%dma_wait3A_138 : memref<40x128xbf16, #tpu.memory_space<vmem_shared>>)
      tpu.yield
    }) : () -> ()
    %add3A_74 = arith.constant 40 : i32
    %add3A_75 = arith.addi %mul3A_2, %add3A_74 : i32
    "tpu.region"() ({
      %run_scoped3A_130 = tpu.sem_alloc : memref<!tpu.dma_semaphore, #tpu.memory_space<semaphore_mem>>
      %dma_start3A_131 = arith.constant 0 : i32
      %dma_start3A_132 = tpu.memref_slice %arg18[%add3A_75, %dma_start3A_131] : memref<10240x128xbf16, #tpu.memory_space<vmem_shared>> -> memref<40x128xbf16, #tpu.memory_space<vmem_shared>>
      %dma_start3A_133 = arith.constant 0 : i32
      %dma_start3A_134 = tpu.memref_slice %arg18[%add3A_75, %dma_start3A_133] : memref<10240x128xbf16, #tpu.memory_space<vmem_shared>> -> memref<40x128xbf16, #tpu.memory_space<vmem_shared>>
      tpu.enqueue_dma source(%arg8 : memref<40x128xbf16, #tpu.memory_space<vmem>>) target(%dma_start3A_134 : memref<40x128xbf16, #tpu.memory_space<vmem_shared>>) target_semaphore(%run_scoped3A_130 : memref<!tpu.dma_semaphore, #tpu.memory_space<semaphore_mem>>)
      %dma_wait3A_135 = arith.constant 0 : i32
      %dma_wait3A_136 = tpu.memref_slice %arg18[%add3A_75, %dma_wait3A_135] : memref<10240x128xbf16, #tpu.memory_space<vmem_shared>> -> memref<40x128xbf16, #tpu.memory_space<vmem_shared>>
      %dma_wait3A_137 = arith.constant 0 : i32
      %dma_wait3A_138 = tpu.memref_slice %arg18[%add3A_75, %dma_wait3A_137] : memref<10240x128xbf16, #tpu.memory_space<vmem_shared>> -> memref<40x128xbf16, #tpu.memory_space<vmem_shared>>
      tpu.wait_dma2 semaphore(%run_scoped3A_130 : memref<!tpu.dma_semaphore, #tpu.memory_space<semaphore_mem>>) src(%arg8 : memref<40x128xbf16, #tpu.memory_space<vmem>>) dst(%dma_wait3A_138 : memref<40x128xbf16, #tpu.memory_space<vmem_shared>>)
      tpu.yield
    }) : () -> ()
    %add3A_76 = arith.constant 80 : i32
    %add3A_77 = arith.addi %mul3A_2, %add3A_76 : i32
    "tpu.region"() ({
      %run_scoped3A_130 = tpu.sem_alloc : memref<!tpu.dma_semaphore, #tpu.memory_space<semaphore_mem>>
      %dma_start3A_131 = arith.constant 0 : i32
      %dma_start3A_132 = tpu.memref_slice %arg18[%add3A_77, %dma_start3A_131] : memref<10240x128xbf16, #tpu.memory_space<vmem_shared>> -> memref<40x128xbf16, #tpu.memory_space<vmem_shared>>
      %dma_start3A_133 = arith.constant 0 : i32
      %dma_start3A_134 = tpu.memref_slice %arg18[%add3A_77, %dma_start3A_133] : memref<10240x128xbf16, #tpu.memory_space<vmem_shared>> -> memref<40x128xbf16, #tpu.memory_space<vmem_shared>>
      tpu.enqueue_dma source(%arg8 : memref<40x128xbf16, #tpu.memory_space<vmem>>) target(%dma_start3A_134 : memref<40x128xbf16, #tpu.memory_space<vmem_shared>>) target_semaphore(%run_scoped3A_130 : memref<!tpu.dma_semaphore, #tpu.memory_space<semaphore_mem>>)
      %dma_wait3A_135 = arith.constant 0 : i32
      %dma_wait3A_136 = tpu.memref_slice %arg18[%add3A_77, %dma_wait3A_135] : memref<10240x128xbf16, #tpu.memory_space<vmem_shared>> -> memref<40x128xbf16, #tpu.memory_space<vmem_shared>>
      %dma_wait3A_137 = arith.constant 0 : i32
      %dma_wait3A_138 = tpu.memref_slice %arg18[%add3A_77, %dma_wait3A_137] : memref<10240x128xbf16, #tpu.memory_space<vmem_shared>> -> memref<40x128xbf16, #tpu.memory_space<vmem_shared>>
      tpu.wait_dma2 semaphore(%run_scoped3A_130 : memref<!tpu.dma_semaphore, #tpu.memory_space<semaphore_mem>>) src(%arg8 : memref<40x128xbf16, #tpu.memory_space<vmem>>) dst(%dma_wait3A_138 : memref<40x128xbf16, #tpu.memory_space<vmem_shared>>)
      tpu.yield
    }) : () -> ()
    %add3A_78 = arith.constant 120 : i32
    %add3A_79 = arith.addi %mul3A_2, %add3A_78 : i32
    "tpu.region"() ({
      %run_scoped3A_130 = tpu.sem_alloc : memref<!tpu.dma_semaphore, #tpu.memory_space<semaphore_mem>>
      %dma_start3A_131 = arith.constant 0 : i32
      %dma_start3A_132 = tpu.memref_slice %arg18[%add3A_79, %dma_start3A_131] : memref<10240x128xbf16, #tpu.memory_space<vmem_shared>> -> memref<40x128xbf16, #tpu.memory_space<vmem_shared>>
      %dma_start3A_133 = arith.constant 0 : i32
      %dma_start3A_134 = tpu.memref_slice %arg18[%add3A_79, %dma_start3A_133] : memref<10240x128xbf16, #tpu.memory_space<vmem_shared>> -> memref<40x128xbf16, #tpu.memory_space<vmem_shared>>
      tpu.enqueue_dma source(%arg8 : memref<40x128xbf16, #tpu.memory_space<vmem>>) target(%dma_start3A_134 : memref<40x128xbf16, #tpu.memory_space<vmem_shared>>) target_semaphore(%run_scoped3A_130 : memref<!tpu.dma_semaphore, #tpu.memory_space<semaphore_mem>>)
      %dma_wait3A_135 = arith.constant 0 : i32
      %dma_wait3A_136 = tpu.memref_slice %arg18[%add3A_79, %dma_wait3A_135] : memref<10240x128xbf16, #tpu.memory_space<vmem_shared>> -> memref<40x128xbf16, #tpu.memory_space<vmem_shared>>
      %dma_wait3A_137 = arith.constant 0 : i32
      %dma_wait3A_138 = tpu.memref_slice %arg18[%add3A_79, %dma_wait3A_137] : memref<10240x128xbf16, #tpu.memory_space<vmem_shared>> -> memref<40x128xbf16, #tpu.memory_space<vmem_shared>>
      tpu.wait_dma2 semaphore(%run_scoped3A_130 : memref<!tpu.dma_semaphore, #tpu.memory_space<semaphore_mem>>) src(%arg8 : memref<40x128xbf16, #tpu.memory_space<vmem>>) dst(%dma_wait3A_138 : memref<40x128xbf16, #tpu.memory_space<vmem_shared>>)
      tpu.yield
    }) : () -> ()
    %add3A_80 = arith.constant 160 : i32
    %add3A_81 = arith.addi %mul3A_2, %add3A_80 : i32
    "tpu.region"() ({
      %run_scoped3A_130 = tpu.sem_alloc : memref<!tpu.dma_semaphore, #tpu.memory_space<semaphore_mem>>
      %dma_start3A_131 = arith.constant 0 : i32
      %dma_start3A_132 = tpu.memref_slice %arg18[%add3A_81, %dma_start3A_131] : memref<10240x128xbf16, #tpu.memory_space<vmem_shared>> -> memref<40x128xbf16, #tpu.memory_space<vmem_shared>>
      %dma_start3A_133 = arith.constant 0 : i32
      %dma_start3A_134 = tpu.memref_slice %arg18[%add3A_81, %dma_start3A_133] : memref<10240x128xbf16, #tpu.memory_space<vmem_shared>> -> memref<40x128xbf16, #tpu.memory_space<vmem_shared>>
      tpu.enqueue_dma source(%arg8 : memref<40x128xbf16, #tpu.memory_space<vmem>>) target(%dma_start3A_134 : memref<40x128xbf16, #tpu.memory_space<vmem_shared>>) target_semaphore(%run_scoped3A_130 : memref<!tpu.dma_semaphore, #tpu.memory_space<semaphore_mem>>)
      %dma_wait3A_135 = arith.constant 0 : i32
      %dma_wait3A_136 = tpu.memref_slice %arg18[%add3A_81, %dma_wait3A_135] : memref<10240x128xbf16, #tpu.memory_space<vmem_shared>> -> memref<40x128xbf16, #tpu.memory_space<vmem_shared>>
      %dma_wait3A_137 = arith.constant 0 : i32
      %dma_wait3A_138 = tpu.memref_slice %arg18[%add3A_81, %dma_wait3A_137] : memref<10240x128xbf16, #tpu.memory_space<vmem_shared>> -> memref<40x128xbf16, #tpu.memory_space<vmem_shared>>
      tpu.wait_dma2 semaphore(%run_scoped3A_130 : memref<!tpu.dma_semaphore, #tpu.memory_space<semaphore_mem>>) src(%arg8 : memref<40x128xbf16, #tpu.memory_space<vmem>>) dst(%dma_wait3A_138 : memref<40x128xbf16, #tpu.memory_space<vmem_shared>>)
      tpu.yield
    }) : () -> ()
    %add3A_82 = arith.constant 200 : i32
    %add3A_83 = arith.addi %mul3A_2, %add3A_82 : i32
    "tpu.region"() ({
      %run_scoped3A_130 = tpu.sem_alloc : memref<!tpu.dma_semaphore, #tpu.memory_space<semaphore_mem>>
      %dma_start3A_131 = arith.constant 0 : i32
      %dma_start3A_132 = tpu.memref_slice %arg18[%add3A_83, %dma_start3A_131] : memref<10240x128xbf16, #tpu.memory_space<vmem_shared>> -> memref<40x128xbf16, #tpu.memory_space<vmem_shared>>
      %dma_start3A_133 = arith.constant 0 : i32
      %dma_start3A_134 = tpu.memref_slice %arg18[%add3A_83, %dma_start3A_133] : memref<10240x128xbf16, #tpu.memory_space<vmem_shared>> -> memref<40x128xbf16, #tpu.memory_space<vmem_shared>>
      tpu.enqueue_dma source(%arg8 : memref<40x128xbf16, #tpu.memory_space<vmem>>) target(%dma_start3A_134 : memref<40x128xbf16, #tpu.memory_space<vmem_shared>>) target_semaphore(%run_scoped3A_130 : memref<!tpu.dma_semaphore, #tpu.memory_space<semaphore_mem>>)
      %dma_wait3A_135 = arith.constant 0 : i32
      %dma_wait3A_136 = tpu.memref_slice %arg18[%add3A_83, %dma_wait3A_135] : memref<10240x128xbf16, #tpu.memory_space<vmem_shared>> -> memref<40x128xbf16, #tpu.memory_space<vmem_shared>>
      %dma_wait3A_137 = arith.constant 0 : i32
      %dma_wait3A_138 = tpu.memref_slice %arg18[%add3A_83, %dma_wait3A_137] : memref<10240x128xbf16, #tpu.memory_space<vmem_shared>> -> memref<40x128xbf16, #tpu.memory_space<vmem_shared>>
      tpu.wait_dma2 semaphore(%run_scoped3A_130 : memref<!tpu.dma_semaphore, #tpu.memory_space<semaphore_mem>>) src(%arg8 : memref<40x128xbf16, #tpu.memory_space<vmem>>) dst(%dma_wait3A_138 : memref<40x128xbf16, #tpu.memory_space<vmem_shared>>)
      tpu.yield
    }) : () -> ()
    %add3A_84 = arith.constant 240 : i32
    %add3A_85 = arith.addi %mul3A_2, %add3A_84 : i32
    "tpu.region"() ({
      %run_scoped3A_130 = tpu.sem_alloc : memref<!tpu.dma_semaphore, #tpu.memory_space<semaphore_mem>>
      %dma_start3A_131 = arith.constant 0 : i32
      %dma_start3A_132 = tpu.memref_slice %arg18[%add3A_85, %dma_start3A_131] : memref<10240x128xbf16, #tpu.memory_space<vmem_shared>> -> memref<40x128xbf16, #tpu.memory_space<vmem_shared>>
      %dma_start3A_133 = arith.constant 0 : i32
      %dma_start3A_134 = tpu.memref_slice %arg18[%add3A_85, %dma_start3A_133] : memref<10240x128xbf16, #tpu.memory_space<vmem_shared>> -> memref<40x128xbf16, #tpu.memory_space<vmem_shared>>
      tpu.enqueue_dma source(%arg8 : memref<40x128xbf16, #tpu.memory_space<vmem>>) target(%dma_start3A_134 : memref<40x128xbf16, #tpu.memory_space<vmem_shared>>) target_semaphore(%run_scoped3A_130 : memref<!tpu.dma_semaphore, #tpu.memory_space<semaphore_mem>>)
      %dma_wait3A_135 = arith.constant 0 : i32
      %dma_wait3A_136 = tpu.memref_slice %arg18[%add3A_85, %dma_wait3A_135] : memref<10240x128xbf16, #tpu.memory_space<vmem_shared>> -> memref<40x128xbf16, #tpu.memory_space<vmem_shared>>
      %dma_wait3A_137 = arith.constant 0 : i32
      %dma_wait3A_138 = tpu.memref_slice %arg18[%add3A_85, %dma_wait3A_137] : memref<10240x128xbf16, #tpu.memory_space<vmem_shared>> -> memref<40x128xbf16, #tpu.memory_space<vmem_shared>>
      tpu.wait_dma2 semaphore(%run_scoped3A_130 : memref<!tpu.dma_semaphore, #tpu.memory_space<semaphore_mem>>) src(%arg8 : memref<40x128xbf16, #tpu.memory_space<vmem>>) dst(%dma_wait3A_138 : memref<40x128xbf16, #tpu.memory_space<vmem_shared>>)
      tpu.yield
    }) : () -> ()
    %add3A_86 = arith.constant 280 : i32
    %add3A_87 = arith.addi %mul3A_2, %add3A_86 : i32
    "tpu.region"() ({
      %run_scoped3A_130 = tpu.sem_alloc : memref<!tpu.dma_semaphore, #tpu.memory_space<semaphore_mem>>
      %dma_start3A_131 = arith.constant 0 : i32
      %dma_start3A_132 = tpu.memref_slice %arg18[%add3A_87, %dma_start3A_131] : memref<10240x128xbf16, #tpu.memory_space<vmem_shared>> -> memref<40x128xbf16, #tpu.memory_space<vmem_shared>>
      %dma_start3A_133 = arith.constant 0 : i32
      %dma_start3A_134 = tpu.memref_slice %arg18[%add3A_87, %dma_start3A_133] : memref<10240x128xbf16, #tpu.memory_space<vmem_shared>> -> memref<40x128xbf16, #tpu.memory_space<vmem_shared>>
      tpu.enqueue_dma source(%arg8 : memref<40x128xbf16, #tpu.memory_space<vmem>>) target(%dma_start3A_134 : memref<40x128xbf16, #tpu.memory_space<vmem_shared>>) target_semaphore(%run_scoped3A_130 : memref<!tpu.dma_semaphore, #tpu.memory_space<semaphore_mem>>)
      %dma_wait3A_135 = arith.constant 0 : i32
      %dma_wait3A_136 = tpu.memref_slice %arg18[%add3A_87, %dma_wait3A_135] : memref<10240x128xbf16, #tpu.memory_space<vmem_shared>> -> memref<40x128xbf16, #tpu.memory_space<vmem_shared>>
      %dma_wait3A_137 = arith.constant 0 : i32
      %dma_wait3A_138 = tpu.memref_slice %arg18[%add3A_87, %dma_wait3A_137] : memref<10240x128xbf16, #tpu.memory_space<vmem_shared>> -> memref<40x128xbf16, #tpu.memory_space<vmem_shared>>
      tpu.wait_dma2 semaphore(%run_scoped3A_130 : memref<!tpu.dma_semaphore, #tpu.memory_space<semaphore_mem>>) src(%arg8 : memref<40x128xbf16, #tpu.memory_space<vmem>>) dst(%dma_wait3A_138 : memref<40x128xbf16, #tpu.memory_space<vmem_shared>>)
      tpu.yield
    }) : () -> ()
    %add3A_88 = arith.constant 320 : i32
    %add3A_89 = arith.addi %mul3A_2, %add3A_88 : i32
    "tpu.region"() ({
      %run_scoped3A_130 = tpu.sem_alloc : memref<!tpu.dma_semaphore, #tpu.memory_space<semaphore_mem>>
      %dma_start3A_131 = arith.constant 0 : i32
      %dma_start3A_132 = tpu.memref_slice %arg18[%add3A_89, %dma_start3A_131] : memref<10240x128xbf16, #tpu.memory_space<vmem_shared>> -> memref<40x128xbf16, #tpu.memory_space<vmem_shared>>
      %dma_start3A_133 = arith.constant 0 : i32
      %dma_start3A_134 = tpu.memref_slice %arg18[%add3A_89, %dma_start3A_133] : memref<10240x128xbf16, #tpu.memory_space<vmem_shared>> -> memref<40x128xbf16, #tpu.memory_space<vmem_shared>>
      tpu.enqueue_dma source(%arg8 : memref<40x128xbf16, #tpu.memory_space<vmem>>) target(%dma_start3A_134 : memref<40x128xbf16, #tpu.memory_space<vmem_shared>>) target_semaphore(%run_scoped3A_130 : memref<!tpu.dma_semaphore, #tpu.memory_space<semaphore_mem>>)
      %dma_wait3A_135 = arith.constant 0 : i32
      %dma_wait3A_136 = tpu.memref_slice %arg18[%add3A_89, %dma_wait3A_135] : memref<10240x128xbf16, #tpu.memory_space<vmem_shared>> -> memref<40x128xbf16, #tpu.memory_space<vmem_shared>>
      %dma_wait3A_137 = arith.constant 0 : i32
      %dma_wait3A_138 = tpu.memref_slice %arg18[%add3A_89, %dma_wait3A_137] : memref<10240x128xbf16, #tpu.memory_space<vmem_shared>> -> memref<40x128xbf16, #tpu.memory_space<vmem_shared>>
      tpu.wait_dma2 semaphore(%run_scoped3A_130 : memref<!tpu.dma_semaphore, #tpu.memory_space<semaphore_mem>>) src(%arg8 : memref<40x128xbf16, #tpu.memory_space<vmem>>) dst(%dma_wait3A_138 : memref<40x128xbf16, #tpu.memory_space<vmem_shared>>)
      tpu.yield
    }) : () -> ()
    %add3A_90 = arith.constant 360 : i32
    %add3A_91 = arith.addi %mul3A_2, %add3A_90 : i32
    "tpu.region"() ({
      %run_scoped3A_130 = tpu.sem_alloc : memref<!tpu.dma_semaphore, #tpu.memory_space<semaphore_mem>>
      %dma_start3A_131 = arith.constant 0 : i32
      %dma_start3A_132 = tpu.memref_slice %arg18[%add3A_91, %dma_start3A_131] : memref<10240x128xbf16, #tpu.memory_space<vmem_shared>> -> memref<40x128xbf16, #tpu.memory_space<vmem_shared>>
      %dma_start3A_133 = arith.constant 0 : i32
      %dma_start3A_134 = tpu.memref_slice %arg18[%add3A_91, %dma_start3A_133] : memref<10240x128xbf16, #tpu.memory_space<vmem_shared>> -> memref<40x128xbf16, #tpu.memory_space<vmem_shared>>
      tpu.enqueue_dma source(%arg8 : memref<40x128xbf16, #tpu.memory_space<vmem>>) target(%dma_start3A_134 : memref<40x128xbf16, #tpu.memory_space<vmem_shared>>) target_semaphore(%run_scoped3A_130 : memref<!tpu.dma_semaphore, #tpu.memory_space<semaphore_mem>>)
      %dma_wait3A_135 = arith.constant 0 : i32
      %dma_wait3A_136 = tpu.memref_slice %arg18[%add3A_91, %dma_wait3A_135] : memref<10240x128xbf16, #tpu.memory_space<vmem_shared>> -> memref<40x128xbf16, #tpu.memory_space<vmem_shared>>
      %dma_wait3A_137 = arith.constant 0 : i32
      %dma_wait3A_138 = tpu.memref_slice %arg18[%add3A_91, %dma_wait3A_137] : memref<10240x128xbf16, #tpu.memory_space<vmem_shared>> -> memref<40x128xbf16, #tpu.memory_space<vmem_shared>>
      tpu.wait_dma2 semaphore(%run_scoped3A_130 : memref<!tpu.dma_semaphore, #tpu.memory_space<semaphore_mem>>) src(%arg8 : memref<40x128xbf16, #tpu.memory_space<vmem>>) dst(%dma_wait3A_138 : memref<40x128xbf16, #tpu.memory_space<vmem_shared>>)
      tpu.yield
    }) : () -> ()
    %add3A_92 = arith.constant 400 : i32
    %add3A_93 = arith.addi %mul3A_2, %add3A_92 : i32
    "tpu.region"() ({
      %run_scoped3A_130 = tpu.sem_alloc : memref<!tpu.dma_semaphore, #tpu.memory_space<semaphore_mem>>
      %dma_start3A_131 = arith.constant 0 : i32
      %dma_start3A_132 = tpu.memref_slice %arg18[%add3A_93, %dma_start3A_131] : memref<10240x128xbf16, #tpu.memory_space<vmem_shared>> -> memref<40x128xbf16, #tpu.memory_space<vmem_shared>>
      %dma_start3A_133 = arith.constant 0 : i32
      %dma_start3A_134 = tpu.memref_slice %arg18[%add3A_93, %dma_start3A_133] : memref<10240x128xbf16, #tpu.memory_space<vmem_shared>> -> memref<40x128xbf16, #tpu.memory_space<vmem_shared>>
      tpu.enqueue_dma source(%arg8 : memref<40x128xbf16, #tpu.memory_space<vmem>>) target(%dma_start3A_134 : memref<40x128xbf16, #tpu.memory_space<vmem_shared>>) target_semaphore(%run_scoped3A_130 : memref<!tpu.dma_semaphore, #tpu.memory_space<semaphore_mem>>)
      %dma_wait3A_135 = arith.constant 0 : i32
      %dma_wait3A_136 = tpu.memref_slice %arg18[%add3A_93, %dma_wait3A_135] : memref<10240x128xbf16, #tpu.memory_space<vmem_shared>> -> memref<40x128xbf16, #tpu.memory_space<vmem_shared>>
      %dma_wait3A_137 = arith.constant 0 : i32
      %dma_wait3A_138 = tpu.memref_slice %arg18[%add3A_93, %dma_wait3A_137] : memref<10240x128xbf16, #tpu.memory_space<vmem_shared>> -> memref<40x128xbf16, #tpu.memory_space<vmem_shared>>
      tpu.wait_dma2 semaphore(%run_scoped3A_130 : memref<!tpu.dma_semaphore, #tpu.memory_space<semaphore_mem>>) src(%arg8 : memref<40x128xbf16, #tpu.memory_space<vmem>>) dst(%dma_wait3A_138 : memref<40x128xbf16, #tpu.memory_space<vmem_shared>>)
      tpu.yield
    }) : () -> ()
    %add3A_94 = arith.constant 440 : i32
    %add3A_95 = arith.addi %mul3A_2, %add3A_94 : i32
    "tpu.region"() ({
      %run_scoped3A_130 = tpu.sem_alloc : memref<!tpu.dma_semaphore, #tpu.memory_space<semaphore_mem>>
      %dma_start3A_131 = arith.constant 0 : i32
      %dma_start3A_132 = tpu.memref_slice %arg18[%add3A_95, %dma_start3A_131] : memref<10240x128xbf16, #tpu.memory_space<vmem_shared>> -> memref<40x128xbf16, #tpu.memory_space<vmem_shared>>
      %dma_start3A_133 = arith.constant 0 : i32
      %dma_start3A_134 = tpu.memref_slice %arg18[%add3A_95, %dma_start3A_133] : memref<10240x128xbf16, #tpu.memory_space<vmem_shared>> -> memref<40x128xbf16, #tpu.memory_space<vmem_shared>>
      tpu.enqueue_dma source(%arg8 : memref<40x128xbf16, #tpu.memory_space<vmem>>) target(%dma_start3A_134 : memref<40x128xbf16, #tpu.memory_space<vmem_shared>>) target_semaphore(%run_scoped3A_130 : memref<!tpu.dma_semaphore, #tpu.memory_space<semaphore_mem>>)
      %dma_wait3A_135 = arith.constant 0 : i32
      %dma_wait3A_136 = tpu.memref_slice %arg18[%add3A_95, %dma_wait3A_135] : memref<10240x128xbf16, #tpu.memory_space<vmem_shared>> -> memref<40x128xbf16, #tpu.memory_space<vmem_shared>>
      %dma_wait3A_137 = arith.constant 0 : i32
      %dma_wait3A_138 = tpu.memref_slice %arg18[%add3A_95, %dma_wait3A_137] : memref<10240x128xbf16, #tpu.memory_space<vmem_shared>> -> memref<40x128xbf16, #tpu.memory_space<vmem_shared>>
      tpu.wait_dma2 semaphore(%run_scoped3A_130 : memref<!tpu.dma_semaphore, #tpu.memory_space<semaphore_mem>>) src(%arg8 : memref<40x128xbf16, #tpu.memory_space<vmem>>) dst(%dma_wait3A_138 : memref<40x128xbf16, #tpu.memory_space<vmem_shared>>)
      tpu.yield
    }) : () -> ()
    %add3A_96 = arith.constant 480 : i32
    %add3A_97 = arith.addi %mul3A_2, %add3A_96 : i32
    "tpu.region"() ({
      %run_scoped3A_130 = tpu.sem_alloc : memref<!tpu.dma_semaphore, #tpu.memory_space<semaphore_mem>>
      %dma_start3A_131 = arith.constant 0 : i32
      %dma_start3A_132 = tpu.memref_slice %arg18[%add3A_97, %dma_start3A_131] : memref<10240x128xbf16, #tpu.memory_space<vmem_shared>> -> memref<40x128xbf16, #tpu.memory_space<vmem_shared>>
      %dma_start3A_133 = arith.constant 0 : i32
      %dma_start3A_134 = tpu.memref_slice %arg18[%add3A_97, %dma_start3A_133] : memref<10240x128xbf16, #tpu.memory_space<vmem_shared>> -> memref<40x128xbf16, #tpu.memory_space<vmem_shared>>
      tpu.enqueue_dma source(%arg8 : memref<40x128xbf16, #tpu.memory_space<vmem>>) target(%dma_start3A_134 : memref<40x128xbf16, #tpu.memory_space<vmem_shared>>) target_semaphore(%run_scoped3A_130 : memref<!tpu.dma_semaphore, #tpu.memory_space<semaphore_mem>>)
      %dma_wait3A_135 = arith.constant 0 : i32
      %dma_wait3A_136 = tpu.memref_slice %arg18[%add3A_97, %dma_wait3A_135] : memref<10240x128xbf16, #tpu.memory_space<vmem_shared>> -> memref<40x128xbf16, #tpu.memory_space<vmem_shared>>
      %dma_wait3A_137 = arith.constant 0 : i32
      %dma_wait3A_138 = tpu.memref_slice %arg18[%add3A_97, %dma_wait3A_137] : memref<10240x128xbf16, #tpu.memory_space<vmem_shared>> -> memref<40x128xbf16, #tpu.memory_space<vmem_shared>>
      tpu.wait_dma2 semaphore(%run_scoped3A_130 : memref<!tpu.dma_semaphore, #tpu.memory_space<semaphore_mem>>) src(%arg8 : memref<40x128xbf16, #tpu.memory_space<vmem>>) dst(%dma_wait3A_138 : memref<40x128xbf16, #tpu.memory_space<vmem_shared>>)
      tpu.yield
    }) : () -> ()
    %add3A_98 = arith.constant 520 : i32
    %add3A_99 = arith.addi %mul3A_2, %add3A_98 : i32
    "tpu.region"() ({
      %run_scoped3A_130 = tpu.sem_alloc : memref<!tpu.dma_semaphore, #tpu.memory_space<semaphore_mem>>
      %dma_start3A_131 = arith.constant 0 : i32
      %dma_start3A_132 = tpu.memref_slice %arg18[%add3A_99, %dma_start3A_131] : memref<10240x128xbf16, #tpu.memory_space<vmem_shared>> -> memref<40x128xbf16, #tpu.memory_space<vmem_shared>>
      %dma_start3A_133 = arith.constant 0 : i32
      %dma_start3A_134 = tpu.memref_slice %arg18[%add3A_99, %dma_start3A_133] : memref<10240x128xbf16, #tpu.memory_space<vmem_shared>> -> memref<40x128xbf16, #tpu.memory_space<vmem_shared>>
      tpu.enqueue_dma source(%arg8 : memref<40x128xbf16, #tpu.memory_space<vmem>>) target(%dma_start3A_134 : memref<40x128xbf16, #tpu.memory_space<vmem_shared>>) target_semaphore(%run_scoped3A_130 : memref<!tpu.dma_semaphore, #tpu.memory_space<semaphore_mem>>)
      %dma_wait3A_135 = arith.constant 0 : i32
      %dma_wait3A_136 = tpu.memref_slice %arg18[%add3A_99, %dma_wait3A_135] : memref<10240x128xbf16, #tpu.memory_space<vmem_shared>> -> memref<40x128xbf16, #tpu.memory_space<vmem_shared>>
      %dma_wait3A_137 = arith.constant 0 : i32
      %dma_wait3A_138 = tpu.memref_slice %arg18[%add3A_99, %dma_wait3A_137] : memref<10240x128xbf16, #tpu.memory_space<vmem_shared>> -> memref<40x128xbf16, #tpu.memory_space<vmem_shared>>
      tpu.wait_dma2 semaphore(%run_scoped3A_130 : memref<!tpu.dma_semaphore, #tpu.memory_space<semaphore_mem>>) src(%arg8 : memref<40x128xbf16, #tpu.memory_space<vmem>>) dst(%dma_wait3A_138 : memref<40x128xbf16, #tpu.memory_space<vmem_shared>>)
      tpu.yield
    }) : () -> ()
    %add3A_100 = arith.constant 560 : i32
    %add3A_101 = arith.addi %mul3A_2, %add3A_100 : i32
    "tpu.region"() ({
      %run_scoped3A_130 = tpu.sem_alloc : memref<!tpu.dma_semaphore, #tpu.memory_space<semaphore_mem>>
      %dma_start3A_131 = arith.constant 0 : i32
      %dma_start3A_132 = tpu.memref_slice %arg18[%add3A_101, %dma_start3A_131] : memref<10240x128xbf16, #tpu.memory_space<vmem_shared>> -> memref<40x128xbf16, #tpu.memory_space<vmem_shared>>
      %dma_start3A_133 = arith.constant 0 : i32
      %dma_start3A_134 = tpu.memref_slice %arg18[%add3A_101, %dma_start3A_133] : memref<10240x128xbf16, #tpu.memory_space<vmem_shared>> -> memref<40x128xbf16, #tpu.memory_space<vmem_shared>>
      tpu.enqueue_dma source(%arg8 : memref<40x128xbf16, #tpu.memory_space<vmem>>) target(%dma_start3A_134 : memref<40x128xbf16, #tpu.memory_space<vmem_shared>>) target_semaphore(%run_scoped3A_130 : memref<!tpu.dma_semaphore, #tpu.memory_space<semaphore_mem>>)
      %dma_wait3A_135 = arith.constant 0 : i32
      %dma_wait3A_136 = tpu.memref_slice %arg18[%add3A_101, %dma_wait3A_135] : memref<10240x128xbf16, #tpu.memory_space<vmem_shared>> -> memref<40x128xbf16, #tpu.memory_space<vmem_shared>>
      %dma_wait3A_137 = arith.constant 0 : i32
      %dma_wait3A_138 = tpu.memref_slice %arg18[%add3A_101, %dma_wait3A_137] : memref<10240x128xbf16, #tpu.memory_space<vmem_shared>> -> memref<40x128xbf16, #tpu.memory_space<vmem_shared>>
      tpu.wait_dma2 semaphore(%run_scoped3A_130 : memref<!tpu.dma_semaphore, #tpu.memory_space<semaphore_mem>>) src(%arg8 : memref<40x128xbf16, #tpu.memory_space<vmem>>) dst(%dma_wait3A_138 : memref<40x128xbf16, #tpu.memory_space<vmem_shared>>)
      tpu.yield
    }) : () -> ()
    %add3A_102 = arith.constant 600 : i32
    %add3A_103 = arith.addi %mul3A_2, %add3A_102 : i32
    "tpu.region"() ({
      %run_scoped3A_130 = tpu.sem_alloc : memref<!tpu.dma_semaphore, #tpu.memory_space<semaphore_mem>>
      %dma_start3A_131 = arith.constant 0 : i32
      %dma_start3A_132 = tpu.memref_slice %arg18[%add3A_103, %dma_start3A_131] : memref<10240x128xbf16, #tpu.memory_space<vmem_shared>> -> memref<40x128xbf16, #tpu.memory_space<vmem_shared>>
      %dma_start3A_133 = arith.constant 0 : i32
      %dma_start3A_134 = tpu.memref_slice %arg18[%add3A_103, %dma_start3A_133] : memref<10240x128xbf16, #tpu.memory_space<vmem_shared>> -> memref<40x128xbf16, #tpu.memory_space<vmem_shared>>
      tpu.enqueue_dma source(%arg8 : memref<40x128xbf16, #tpu.memory_space<vmem>>) target(%dma_start3A_134 : memref<40x128xbf16, #tpu.memory_space<vmem_shared>>) target_semaphore(%run_scoped3A_130 : memref<!tpu.dma_semaphore, #tpu.memory_space<semaphore_mem>>)
      %dma_wait3A_135 = arith.constant 0 : i32
      %dma_wait3A_136 = tpu.memref_slice %arg18[%add3A_103, %dma_wait3A_135] : memref<10240x128xbf16, #tpu.memory_space<vmem_shared>> -> memref<40x128xbf16, #tpu.memory_space<vmem_shared>>
      %dma_wait3A_137 = arith.constant 0 : i32
      %dma_wait3A_138 = tpu.memref_slice %arg18[%add3A_103, %dma_wait3A_137] : memref<10240x128xbf16, #tpu.memory_space<vmem_shared>> -> memref<40x128xbf16, #tpu.memory_space<vmem_shared>>
      tpu.wait_dma2 semaphore(%run_scoped3A_130 : memref<!tpu.dma_semaphore, #tpu.memory_space<semaphore_mem>>) src(%arg8 : memref<40x128xbf16, #tpu.memory_space<vmem>>) dst(%dma_wait3A_138 : memref<40x128xbf16, #tpu.memory_space<vmem_shared>>)
      tpu.yield
    }) : () -> ()
    %barrier3A = arith.constant 0 : index
    tpu.barrier barrier_id(%barrier3A)
    %dma_start3A_104 = arith.constant 0 : i32
    %dma_start3A_105 = arith.constant 0 : i32
    %dma_start3A_106 = tpu.memref_slice %arg6[%dma_start3A_104, %dma_start3A_105] : memref<250x40xi32, #tpu.memory_space<vmem>> -> memref<1x40xi32, #tpu.memory_space<vmem>>
    %dma_start3A_107 = tpu.memref_squeeze %dma_start3A_106 : memref<1x40xi32, #tpu.memory_space<vmem>> -> memref<40xi32, #tpu.memory_space<vmem>>
    %dma_start3A_108 = arith.constant 0 : i32
    %dma_start3A_109 = arith.constant 0 : i32
    %dma_start3A_110 = tpu.memref_slice %arg2[%dma_start3A_108, %dma_start3A_109] : memref<10000x128xbf16, #tpu.memory_space<hbm>> -> memref<10000x128xbf16, #tpu.memory_space<hbm>>
    tpu.enqueue_indirect_dma source(%dma_start3A_110 : memref<10000x128xbf16, #tpu.memory_space<hbm>>) target(%arg8 : memref<40x128xbf16, #tpu.memory_space<vmem>>) offsets(%dma_start3A_107 : memref<40xi32, #tpu.memory_space<vmem>>) semaphore(%arg19 : memref<!tpu.dma_semaphore, #tpu.memory_space<semaphore_mem>>)
    %scan3A_111 = arith.constant 0 : i32
    %scan3A_112 = arith.constant 25 : i32
    %scan3A_113 = arith.addi %scan3A_111, %scan3A_112 : i32
    %scan3A_114 = arith.constant 1 : i32
    scf.for %scan3A_130 = %scan3A_111 to %scan3A_113 step %scan3A_114  : i32 {
      %mul3A_131 = arith.constant 10 : i32
      %mul3A_132 = arith.muli %scan3A_130, %mul3A_131 : i32
      %add3A_133 = arith.constant 0 : i32
      %add3A_134 = arith.addi %add3A_133, %mul3A_132 : i32
      %add3A_135 = arith.constant 0 : i32
      %add3A_136 = arith.addi %add3A_134, %add3A_135 : i32
      %dma_wait3A_137 = arith.constant 0 : i32
      %dma_wait3A_138 = tpu.memref_slice %arg6[%add3A_136, %dma_wait3A_137] : memref<250x40xi32, #tpu.memory_space<vmem>> -> memref<1x40xi32, #tpu.memory_space<vmem>>
      %dma_wait3A_139 = tpu.memref_squeeze %dma_wait3A_138 : memref<1x40xi32, #tpu.memory_space<vmem>> -> memref<40xi32, #tpu.memory_space<vmem>>
      %dma_wait3A_140 = arith.constant 0 : i32
      %dma_wait3A_141 = arith.constant 0 : i32
      %dma_wait3A_142 = tpu.memref_slice %arg2[%dma_wait3A_140, %dma_wait3A_141] : memref<10000x128xbf16, #tpu.memory_space<hbm>> -> memref<10000x128xbf16, #tpu.memory_space<hbm>>
      tpu.wait_indirect_dma semaphore(%arg19 : memref<!tpu.dma_semaphore, #tpu.memory_space<semaphore_mem>>) src(%dma_wait3A_142 : memref<10000x128xbf16, #tpu.memory_space<hbm>>) dst(%arg8 : memref<40x128xbf16, #tpu.memory_space<vmem>>)
      %dma_start3A_143 = arith.constant 0 : i32
      %dma_start3A_144 = tpu.memref_slice %arg7[%add3A_136, %dma_start3A_143] : memref<250x40xi32, #tpu.memory_space<vmem>> -> memref<1x40xi32, #tpu.memory_space<vmem>>
      %dma_start3A_145 = tpu.memref_squeeze %dma_start3A_144 : memref<1x40xi32, #tpu.memory_space<vmem>> -> memref<40xi32, #tpu.memory_space<vmem>>
      %dma_start3A_146 = arith.constant 0 : i32
      %dma_start3A_147 = arith.constant 0 : i32
      %dma_start3A_148 = tpu.memref_slice %arg18[%dma_start3A_146, %dma_start3A_147] : memref<10240x128xbf16, #tpu.memory_space<vmem_shared>> -> memref<10240x128xbf16, #tpu.memory_space<vmem_shared>>
      tpu.enqueue_indirect_dma source(%arg8 : memref<40x128xbf16, #tpu.memory_space<vmem>>) target(%dma_start3A_148 : memref<10240x128xbf16, #tpu.memory_space<vmem_shared>>) offsets(%dma_start3A_145 : memref<40xi32, #tpu.memory_space<vmem>>) semaphore(%arg29 : memref<!tpu.dma_semaphore, #tpu.memory_space<semaphore_mem>>) {add = true}
      %ge3A = arith.constant 1 : i32
      %ge3A_149 = arith.cmpi sge, %add3A_136, %ge3A : i32
      %add3A_150 = arith.constant 10 : i32
      %add3A_151 = arith.addi %add3A_136, %add3A_150 : i32
      %sub3A = arith.constant 1 : i32
      %sub3A_152 = arith.subi %add3A_151, %sub3A : i32
      %lt3A = arith.constant 250 : i32
      %lt3A_153 = arith.cmpi slt, %sub3A_152, %lt3A : i32
      %and3A = arith.andi %ge3A_149, %lt3A_153 : i1
      %convert_element_type3A_154 = arith.extui %and3A : i1 to i32
      %cond3A_155 = arith.constant 0 : i32
      %cond3A_156 = arith.cmpi ne, %convert_element_type3A_154, %cond3A_155 : i32
      scf.if %cond3A_156 {
        %sub3A_511 = arith.constant 1 : i32
        %sub3A_512 = arith.subi %add3A_136, %sub3A_511 : i32
        %dma_wait3A_513 = arith.constant 0 : i32
        %dma_wait3A_514 = tpu.memref_slice %arg7[%sub3A_512, %dma_wait3A_513] : memref<250x40xi32, #tpu.memory_space<vmem>> -> memref<1x40xi32, #tpu.memory_space<vmem>>
        %dma_wait3A_515 = tpu.memref_squeeze %dma_wait3A_514 : memref<1x40xi32, #tpu.memory_space<vmem>> -> memref<40xi32, #tpu.memory_space<vmem>>
        %dma_wait3A_516 = arith.constant 0 : i32
        %dma_wait3A_517 = arith.constant 0 : i32
        %dma_wait3A_518 = tpu.memref_slice %arg18[%dma_wait3A_516, %dma_wait3A_517] : memref<10240x128xbf16, #tpu.memory_space<vmem_shared>> -> memref<10240x128xbf16, #tpu.memory_space<vmem_shared>>
        tpu.wait_indirect_dma semaphore(%arg38 : memref<!tpu.dma_semaphore, #tpu.memory_space<semaphore_mem>>) src(%arg17 : memref<40x128xbf16, #tpu.memory_space<vmem>>) dst(%dma_wait3A_518 : memref<10240x128xbf16, #tpu.memory_space<vmem_shared>>)
        %add3A_519 = arith.constant 10 : i32
        %add3A_520 = arith.addi %add3A_136, %add3A_519 : i32
        %sub3A_521 = arith.constant 1 : i32
        %sub3A_522 = arith.subi %add3A_520, %sub3A_521 : i32
        %dma_start3A_523 = arith.constant 0 : i32
        %dma_start3A_524 = tpu.memref_slice %arg6[%sub3A_522, %dma_start3A_523] : memref<250x40xi32, #tpu.memory_space<vmem>> -> memref<1x40xi32, #tpu.memory_space<vmem>>
        %dma_start3A_525 = tpu.memref_squeeze %dma_start3A_524 : memref<1x40xi32, #tpu.memory_space<vmem>> -> memref<40xi32, #tpu.memory_space<vmem>>
        %dma_start3A_526 = arith.constant 0 : i32
        %dma_start3A_527 = arith.constant 0 : i32
        %dma_start3A_528 = tpu.memref_slice %arg2[%dma_start3A_526, %dma_start3A_527] : memref<10000x128xbf16, #tpu.memory_space<hbm>> -> memref<10000x128xbf16, #tpu.memory_space<hbm>>
        tpu.enqueue_indirect_dma source(%dma_start3A_528 : memref<10000x128xbf16, #tpu.memory_space<hbm>>) target(%arg17 : memref<40x128xbf16, #tpu.memory_space<vmem>>) offsets(%dma_start3A_525 : memref<40xi32, #tpu.memory_space<vmem>>) semaphore(%arg28 : memref<!tpu.dma_semaphore, #tpu.memory_space<semaphore_mem>>)
      } else {
      }
      %ge3A_157 = arith.constant 1 : i32
      %ge3A_158 = arith.cmpi sge, %add3A_136, %ge3A_157 : i32
      %add3A_159 = arith.constant 10 : i32
      %add3A_160 = arith.addi %add3A_136, %add3A_159 : i32
      %sub3A_161 = arith.constant 1 : i32
      %sub3A_162 = arith.subi %add3A_160, %sub3A_161 : i32
      %ge3A_163 = arith.constant 250 : i32
      %ge3A_164 = arith.cmpi sge, %sub3A_162, %ge3A_163 : i32
      %and3A_165 = arith.andi %ge3A_158, %ge3A_164 : i1
      %convert_element_type3A_166 = arith.extui %and3A_165 : i1 to i32
      %cond3A_167 = arith.constant 0 : i32
      %cond3A_168 = arith.cmpi ne, %convert_element_type3A_166, %cond3A_167 : i32
      scf.if %cond3A_168 {
        %sub3A_511 = arith.constant 1 : i32
        %sub3A_512 = arith.subi %add3A_136, %sub3A_511 : i32
        %dma_wait3A_513 = arith.constant 0 : i32
        %dma_wait3A_514 = tpu.memref_slice %arg7[%sub3A_512, %dma_wait3A_513] : memref<250x40xi32, #tpu.memory_space<vmem>> -> memref<1x40xi32, #tpu.memory_space<vmem>>
        %dma_wait3A_515 = tpu.memref_squeeze %dma_wait3A_514 : memref<1x40xi32, #tpu.memory_space<vmem>> -> memref<40xi32, #tpu.memory_space<vmem>>
        %dma_wait3A_516 = arith.constant 0 : i32
        %dma_wait3A_517 = arith.constant 0 : i32
        %dma_wait3A_518 = tpu.memref_slice %arg18[%dma_wait3A_516, %dma_wait3A_517] : memref<10240x128xbf16, #tpu.memory_space<vmem_shared>> -> memref<10240x128xbf16, #tpu.memory_space<vmem_shared>>
        tpu.wait_indirect_dma semaphore(%arg38 : memref<!tpu.dma_semaphore, #tpu.memory_space<semaphore_mem>>) src(%arg17 : memref<40x128xbf16, #tpu.memory_space<vmem>>) dst(%dma_wait3A_518 : memref<10240x128xbf16, #tpu.memory_space<vmem_shared>>)
      } else {
      }
      %add3A_169 = arith.constant 1 : i32
      %add3A_170 = arith.addi %add3A_134, %add3A_169 : i32
      %dma_wait3A_171 = arith.constant 0 : i32
      %dma_wait3A_172 = tpu.memref_slice %arg6[%add3A_170, %dma_wait3A_171] : memref<250x40xi32, #tpu.memory_space<vmem>> -> memref<1x40xi32, #tpu.memory_space<vmem>>
      %dma_wait3A_173 = tpu.memref_squeeze %dma_wait3A_172 : memref<1x40xi32, #tpu.memory_space<vmem>> -> memref<40xi32, #tpu.memory_space<vmem>>
      %dma_wait3A_174 = arith.constant 0 : i32
      %dma_wait3A_175 = arith.constant 0 : i32
      %dma_wait3A_176 = tpu.memref_slice %arg2[%dma_wait3A_174, %dma_wait3A_175] : memref<10000x128xbf16, #tpu.memory_space<hbm>> -> memref<10000x128xbf16, #tpu.memory_space<hbm>>
      tpu.wait_indirect_dma semaphore(%arg20 : memref<!tpu.dma_semaphore, #tpu.memory_space<semaphore_mem>>) src(%dma_wait3A_176 : memref<10000x128xbf16, #tpu.memory_space<hbm>>) dst(%arg9 : memref<40x128xbf16, #tpu.memory_space<vmem>>)
      %dma_start3A_177 = arith.constant 0 : i32
      %dma_start3A_178 = tpu.memref_slice %arg7[%add3A_170, %dma_start3A_177] : memref<250x40xi32, #tpu.memory_space<vmem>> -> memref<1x40xi32, #tpu.memory_space<vmem>>
      %dma_start3A_179 = tpu.memref_squeeze %dma_start3A_178 : memref<1x40xi32, #tpu.memory_space<vmem>> -> memref<40xi32, #tpu.memory_space<vmem>>
      %dma_start3A_180 = arith.constant 0 : i32
      %dma_start3A_181 = arith.constant 0 : i32
      %dma_start3A_182 = tpu.memref_slice %arg18[%dma_start3A_180, %dma_start3A_181] : memref<10240x128xbf16, #tpu.memory_space<vmem_shared>> -> memref<10240x128xbf16, #tpu.memory_space<vmem_shared>>
      tpu.enqueue_indirect_dma source(%arg9 : memref<40x128xbf16, #tpu.memory_space<vmem>>) target(%dma_start3A_182 : memref<10240x128xbf16, #tpu.memory_space<vmem_shared>>) offsets(%dma_start3A_179 : memref<40xi32, #tpu.memory_space<vmem>>) semaphore(%arg30 : memref<!tpu.dma_semaphore, #tpu.memory_space<semaphore_mem>>) {add = true}
      %ge3A_183 = arith.constant 1 : i32
      %ge3A_184 = arith.cmpi sge, %add3A_170, %ge3A_183 : i32
      %add3A_185 = arith.constant 10 : i32
      %add3A_186 = arith.addi %add3A_170, %add3A_185 : i32
      %sub3A_187 = arith.constant 1 : i32
      %sub3A_188 = arith.subi %add3A_186, %sub3A_187 : i32
      %lt3A_189 = arith.constant 250 : i32
      %lt3A_190 = arith.cmpi slt, %sub3A_188, %lt3A_189 : i32
      %and3A_191 = arith.andi %ge3A_184, %lt3A_190 : i1
      %convert_element_type3A_192 = arith.extui %and3A_191 : i1 to i32
      %cond3A_193 = arith.constant 0 : i32
      %cond3A_194 = arith.cmpi ne, %convert_element_type3A_192, %cond3A_193 : i32
      scf.if %cond3A_194 {
        %sub3A_511 = arith.constant 1 : i32
        %sub3A_512 = arith.subi %add3A_170, %sub3A_511 : i32
        %dma_wait3A_513 = arith.constant 0 : i32
        %dma_wait3A_514 = tpu.memref_slice %arg7[%sub3A_512, %dma_wait3A_513] : memref<250x40xi32, #tpu.memory_space<vmem>> -> memref<1x40xi32, #tpu.memory_space<vmem>>
        %dma_wait3A_515 = tpu.memref_squeeze %dma_wait3A_514 : memref<1x40xi32, #tpu.memory_space<vmem>> -> memref<40xi32, #tpu.memory_space<vmem>>
        %dma_wait3A_516 = arith.constant 0 : i32
        %dma_wait3A_517 = arith.constant 0 : i32
        %dma_wait3A_518 = tpu.memref_slice %arg18[%dma_wait3A_516, %dma_wait3A_517] : memref<10240x128xbf16, #tpu.memory_space<vmem_shared>> -> memref<10240x128xbf16, #tpu.memory_space<vmem_shared>>
        tpu.wait_indirect_dma semaphore(%arg29 : memref<!tpu.dma_semaphore, #tpu.memory_space<semaphore_mem>>) src(%arg8 : memref<40x128xbf16, #tpu.memory_space<vmem>>) dst(%dma_wait3A_518 : memref<10240x128xbf16, #tpu.memory_space<vmem_shared>>)
        %add3A_519 = arith.constant 10 : i32
        %add3A_520 = arith.addi %add3A_170, %add3A_519 : i32
        %sub3A_521 = arith.constant 1 : i32
        %sub3A_522 = arith.subi %add3A_520, %sub3A_521 : i32
        %dma_start3A_523 = arith.constant 0 : i32
        %dma_start3A_524 = tpu.memref_slice %arg6[%sub3A_522, %dma_start3A_523] : memref<250x40xi32, #tpu.memory_space<vmem>> -> memref<1x40xi32, #tpu.memory_space<vmem>>
        %dma_start3A_525 = tpu.memref_squeeze %dma_start3A_524 : memref<1x40xi32, #tpu.memory_space<vmem>> -> memref<40xi32, #tpu.memory_space<vmem>>
        %dma_start3A_526 = arith.constant 0 : i32
        %dma_start3A_527 = arith.constant 0 : i32
        %dma_start3A_528 = tpu.memref_slice %arg2[%dma_start3A_526, %dma_start3A_527] : memref<10000x128xbf16, #tpu.memory_space<hbm>> -> memref<10000x128xbf16, #tpu.memory_space<hbm>>
        tpu.enqueue_indirect_dma source(%dma_start3A_528 : memref<10000x128xbf16, #tpu.memory_space<hbm>>) target(%arg8 : memref<40x128xbf16, #tpu.memory_space<vmem>>) offsets(%dma_start3A_525 : memref<40xi32, #tpu.memory_space<vmem>>) semaphore(%arg19 : memref<!tpu.dma_semaphore, #tpu.memory_space<semaphore_mem>>)
      } else {
      }
      %ge3A_195 = arith.constant 1 : i32
      %ge3A_196 = arith.cmpi sge, %add3A_170, %ge3A_195 : i32
      %add3A_197 = arith.constant 10 : i32
      %add3A_198 = arith.addi %add3A_170, %add3A_197 : i32
      %sub3A_199 = arith.constant 1 : i32
      %sub3A_200 = arith.subi %add3A_198, %sub3A_199 : i32
      %ge3A_201 = arith.constant 250 : i32
      %ge3A_202 = arith.cmpi sge, %sub3A_200, %ge3A_201 : i32
      %and3A_203 = arith.andi %ge3A_196, %ge3A_202 : i1
      %convert_element_type3A_204 = arith.extui %and3A_203 : i1 to i32
      %cond3A_205 = arith.constant 0 : i32
      %cond3A_206 = arith.cmpi ne, %convert_element_type3A_204, %cond3A_205 : i32
      scf.if %cond3A_206 {
        %sub3A_511 = arith.constant 1 : i32
        %sub3A_512 = arith.subi %add3A_170, %sub3A_511 : i32
        %dma_wait3A_513 = arith.constant 0 : i32
        %dma_wait3A_514 = tpu.memref_slice %arg7[%sub3A_512, %dma_wait3A_513] : memref<250x40xi32, #tpu.memory_space<vmem>> -> memref<1x40xi32, #tpu.memory_space<vmem>>
        %dma_wait3A_515 = tpu.memref_squeeze %dma_wait3A_514 : memref<1x40xi32, #tpu.memory_space<vmem>> -> memref<40xi32, #tpu.memory_space<vmem>>
        %dma_wait3A_516 = arith.constant 0 : i32
        %dma_wait3A_517 = arith.constant 0 : i32
        %dma_wait3A_518 = tpu.memref_slice %arg18[%dma_wait3A_516, %dma_wait3A_517] : memref<10240x128xbf16, #tpu.memory_space<vmem_shared>> -> memref<10240x128xbf16, #tpu.memory_space<vmem_shared>>
        tpu.wait_indirect_dma semaphore(%arg29 : memref<!tpu.dma_semaphore, #tpu.memory_space<semaphore_mem>>) src(%arg8 : memref<40x128xbf16, #tpu.memory_space<vmem>>) dst(%dma_wait3A_518 : memref<10240x128xbf16, #tpu.memory_space<vmem_shared>>)
      } else {
      }
      %add3A_207 = arith.constant 2 : i32
      %add3A_208 = arith.addi %add3A_134, %add3A_207 : i32
      %dma_wait3A_209 = arith.constant 0 : i32
      %dma_wait3A_210 = tpu.memref_slice %arg6[%add3A_208, %dma_wait3A_209] : memref<250x40xi32, #tpu.memory_space<vmem>> -> memref<1x40xi32, #tpu.memory_space<vmem>>
      %dma_wait3A_211 = tpu.memref_squeeze %dma_wait3A_210 : memref<1x40xi32, #tpu.memory_space<vmem>> -> memref<40xi32, #tpu.memory_space<vmem>>
      %dma_wait3A_212 = arith.constant 0 : i32
      %dma_wait3A_213 = arith.constant 0 : i32
      %dma_wait3A_214 = tpu.memref_slice %arg2[%dma_wait3A_212, %dma_wait3A_213] : memref<10000x128xbf16, #tpu.memory_space<hbm>> -> memref<10000x128xbf16, #tpu.memory_space<hbm>>
      tpu.wait_indirect_dma semaphore(%arg21 : memref<!tpu.dma_semaphore, #tpu.memory_space<semaphore_mem>>) src(%dma_wait3A_214 : memref<10000x128xbf16, #tpu.memory_space<hbm>>) dst(%arg10 : memref<40x128xbf16, #tpu.memory_space<vmem>>)
      %dma_start3A_215 = arith.constant 0 : i32
      %dma_start3A_216 = tpu.memref_slice %arg7[%add3A_208, %dma_start3A_215] : memref<250x40xi32, #tpu.memory_space<vmem>> -> memref<1x40xi32, #tpu.memory_space<vmem>>
      %dma_start3A_217 = tpu.memref_squeeze %dma_start3A_216 : memref<1x40xi32, #tpu.memory_space<vmem>> -> memref<40xi32, #tpu.memory_space<vmem>>
      %dma_start3A_218 = arith.constant 0 : i32
      %dma_start3A_219 = arith.constant 0 : i32
      %dma_start3A_220 = tpu.memref_slice %arg18[%dma_start3A_218, %dma_start3A_219] : memref<10240x128xbf16, #tpu.memory_space<vmem_shared>> -> memref<10240x128xbf16, #tpu.memory_space<vmem_shared>>
      tpu.enqueue_indirect_dma source(%arg10 : memref<40x128xbf16, #tpu.memory_space<vmem>>) target(%dma_start3A_220 : memref<10240x128xbf16, #tpu.memory_space<vmem_shared>>) offsets(%dma_start3A_217 : memref<40xi32, #tpu.memory_space<vmem>>) semaphore(%arg31 : memref<!tpu.dma_semaphore, #tpu.memory_space<semaphore_mem>>) {add = true}
      %ge3A_221 = arith.constant 1 : i32
      %ge3A_222 = arith.cmpi sge, %add3A_208, %ge3A_221 : i32
      %add3A_223 = arith.constant 10 : i32
      %add3A_224 = arith.addi %add3A_208, %add3A_223 : i32
      %sub3A_225 = arith.constant 1 : i32
      %sub3A_226 = arith.subi %add3A_224, %sub3A_225 : i32
      %lt3A_227 = arith.constant 250 : i32
      %lt3A_228 = arith.cmpi slt, %sub3A_226, %lt3A_227 : i32
      %and3A_229 = arith.andi %ge3A_222, %lt3A_228 : i1
      %convert_element_type3A_230 = arith.extui %and3A_229 : i1 to i32
      %cond3A_231 = arith.constant 0 : i32
      %cond3A_232 = arith.cmpi ne, %convert_element_type3A_230, %cond3A_231 : i32
      scf.if %cond3A_232 {
        %sub3A_511 = arith.constant 1 : i32
        %sub3A_512 = arith.subi %add3A_208, %sub3A_511 : i32
        %dma_wait3A_513 = arith.constant 0 : i32
        %dma_wait3A_514 = tpu.memref_slice %arg7[%sub3A_512, %dma_wait3A_513] : memref<250x40xi32, #tpu.memory_space<vmem>> -> memref<1x40xi32, #tpu.memory_space<vmem>>
        %dma_wait3A_515 = tpu.memref_squeeze %dma_wait3A_514 : memref<1x40xi32, #tpu.memory_space<vmem>> -> memref<40xi32, #tpu.memory_space<vmem>>
        %dma_wait3A_516 = arith.constant 0 : i32
        %dma_wait3A_517 = arith.constant 0 : i32
        %dma_wait3A_518 = tpu.memref_slice %arg18[%dma_wait3A_516, %dma_wait3A_517] : memref<10240x128xbf16, #tpu.memory_space<vmem_shared>> -> memref<10240x128xbf16, #tpu.memory_space<vmem_shared>>
        tpu.wait_indirect_dma semaphore(%arg30 : memref<!tpu.dma_semaphore, #tpu.memory_space<semaphore_mem>>) src(%arg9 : memref<40x128xbf16, #tpu.memory_space<vmem>>) dst(%dma_wait3A_518 : memref<10240x128xbf16, #tpu.memory_space<vmem_shared>>)
        %add3A_519 = arith.constant 10 : i32
        %add3A_520 = arith.addi %add3A_208, %add3A_519 : i32
        %sub3A_521 = arith.constant 1 : i32
        %sub3A_522 = arith.subi %add3A_520, %sub3A_521 : i32
        %dma_start3A_523 = arith.constant 0 : i32
        %dma_start3A_524 = tpu.memref_slice %arg6[%sub3A_522, %dma_start3A_523] : memref<250x40xi32, #tpu.memory_space<vmem>> -> memref<1x40xi32, #tpu.memory_space<vmem>>
        %dma_start3A_525 = tpu.memref_squeeze %dma_start3A_524 : memref<1x40xi32, #tpu.memory_space<vmem>> -> memref<40xi32, #tpu.memory_space<vmem>>
        %dma_start3A_526 = arith.constant 0 : i32
        %dma_start3A_527 = arith.constant 0 : i32
        %dma_start3A_528 = tpu.memref_slice %arg2[%dma_start3A_526, %dma_start3A_527] : memref<10000x128xbf16, #tpu.memory_space<hbm>> -> memref<10000x128xbf16, #tpu.memory_space<hbm>>
        tpu.enqueue_indirect_dma source(%dma_start3A_528 : memref<10000x128xbf16, #tpu.memory_space<hbm>>) target(%arg9 : memref<40x128xbf16, #tpu.memory_space<vmem>>) offsets(%dma_start3A_525 : memref<40xi32, #tpu.memory_space<vmem>>) semaphore(%arg20 : memref<!tpu.dma_semaphore, #tpu.memory_space<semaphore_mem>>)
      } else {
      }
      %ge3A_233 = arith.constant 1 : i32
      %ge3A_234 = arith.cmpi sge, %add3A_208, %ge3A_233 : i32
      %add3A_235 = arith.constant 10 : i32
      %add3A_236 = arith.addi %add3A_208, %add3A_235 : i32
      %sub3A_237 = arith.constant 1 : i32
      %sub3A_238 = arith.subi %add3A_236, %sub3A_237 : i32
      %ge3A_239 = arith.constant 250 : i32
      %ge3A_240 = arith.cmpi sge, %sub3A_238, %ge3A_239 : i32
      %and3A_241 = arith.andi %ge3A_234, %ge3A_240 : i1
      %convert_element_type3A_242 = arith.extui %and3A_241 : i1 to i32
      %cond3A_243 = arith.constant 0 : i32
      %cond3A_244 = arith.cmpi ne, %convert_element_type3A_242, %cond3A_243 : i32
      scf.if %cond3A_244 {
        %sub3A_511 = arith.constant 1 : i32
        %sub3A_512 = arith.subi %add3A_208, %sub3A_511 : i32
        %dma_wait3A_513 = arith.constant 0 : i32
        %dma_wait3A_514 = tpu.memref_slice %arg7[%sub3A_512, %dma_wait3A_513] : memref<250x40xi32, #tpu.memory_space<vmem>> -> memref<1x40xi32, #tpu.memory_space<vmem>>
        %dma_wait3A_515 = tpu.memref_squeeze %dma_wait3A_514 : memref<1x40xi32, #tpu.memory_space<vmem>> -> memref<40xi32, #tpu.memory_space<vmem>>
        %dma_wait3A_516 = arith.constant 0 : i32
        %dma_wait3A_517 = arith.constant 0 : i32
        %dma_wait3A_518 = tpu.memref_slice %arg18[%dma_wait3A_516, %dma_wait3A_517] : memref<10240x128xbf16, #tpu.memory_space<vmem_shared>> -> memref<10240x128xbf16, #tpu.memory_space<vmem_shared>>
        tpu.wait_indirect_dma semaphore(%arg30 : memref<!tpu.dma_semaphore, #tpu.memory_space<semaphore_mem>>) src(%arg9 : memref<40x128xbf16, #tpu.memory_space<vmem>>) dst(%dma_wait3A_518 : memref<10240x128xbf16, #tpu.memory_space<vmem_shared>>)
      } else {
      }
      %add3A_245 = arith.constant 3 : i32
      %add3A_246 = arith.addi %add3A_134, %add3A_245 : i32
      %dma_wait3A_247 = arith.constant 0 : i32
      %dma_wait3A_248 = tpu.memref_slice %arg6[%add3A_246, %dma_wait3A_247] : memref<250x40xi32, #tpu.memory_space<vmem>> -> memref<1x40xi32, #tpu.memory_space<vmem>>
      %dma_wait3A_249 = tpu.memref_squeeze %dma_wait3A_248 : memref<1x40xi32, #tpu.memory_space<vmem>> -> memref<40xi32, #tpu.memory_space<vmem>>
      %dma_wait3A_250 = arith.constant 0 : i32
      %dma_wait3A_251 = arith.constant 0 : i32
      %dma_wait3A_252 = tpu.memref_slice %arg2[%dma_wait3A_250, %dma_wait3A_251] : memref<10000x128xbf16, #tpu.memory_space<hbm>> -> memref<10000x128xbf16, #tpu.memory_space<hbm>>
      tpu.wait_indirect_dma semaphore(%arg22 : memref<!tpu.dma_semaphore, #tpu.memory_space<semaphore_mem>>) src(%dma_wait3A_252 : memref<10000x128xbf16, #tpu.memory_space<hbm>>) dst(%arg11 : memref<40x128xbf16, #tpu.memory_space<vmem>>)
      %dma_start3A_253 = arith.constant 0 : i32
      %dma_start3A_254 = tpu.memref_slice %arg7[%add3A_246, %dma_start3A_253] : memref<250x40xi32, #tpu.memory_space<vmem>> -> memref<1x40xi32, #tpu.memory_space<vmem>>
      %dma_start3A_255 = tpu.memref_squeeze %dma_start3A_254 : memref<1x40xi32, #tpu.memory_space<vmem>> -> memref<40xi32, #tpu.memory_space<vmem>>
      %dma_start3A_256 = arith.constant 0 : i32
      %dma_start3A_257 = arith.constant 0 : i32
      %dma_start3A_258 = tpu.memref_slice %arg18[%dma_start3A_256, %dma_start3A_257] : memref<10240x128xbf16, #tpu.memory_space<vmem_shared>> -> memref<10240x128xbf16, #tpu.memory_space<vmem_shared>>
      tpu.enqueue_indirect_dma source(%arg11 : memref<40x128xbf16, #tpu.memory_space<vmem>>) target(%dma_start3A_258 : memref<10240x128xbf16, #tpu.memory_space<vmem_shared>>) offsets(%dma_start3A_255 : memref<40xi32, #tpu.memory_space<vmem>>) semaphore(%arg32 : memref<!tpu.dma_semaphore, #tpu.memory_space<semaphore_mem>>) {add = true}
      %ge3A_259 = arith.constant 1 : i32
      %ge3A_260 = arith.cmpi sge, %add3A_246, %ge3A_259 : i32
      %add3A_261 = arith.constant 10 : i32
      %add3A_262 = arith.addi %add3A_246, %add3A_261 : i32
      %sub3A_263 = arith.constant 1 : i32
      %sub3A_264 = arith.subi %add3A_262, %sub3A_263 : i32
      %lt3A_265 = arith.constant 250 : i32
      %lt3A_266 = arith.cmpi slt, %sub3A_264, %lt3A_265 : i32
      %and3A_267 = arith.andi %ge3A_260, %lt3A_266 : i1
      %convert_element_type3A_268 = arith.extui %and3A_267 : i1 to i32
      %cond3A_269 = arith.constant 0 : i32
      %cond3A_270 = arith.cmpi ne, %convert_element_type3A_268, %cond3A_269 : i32
      scf.if %cond3A_270 {
        %sub3A_511 = arith.constant 1 : i32
        %sub3A_512 = arith.subi %add3A_246, %sub3A_511 : i32
        %dma_wait3A_513 = arith.constant 0 : i32
        %dma_wait3A_514 = tpu.memref_slice %arg7[%sub3A_512, %dma_wait3A_513] : memref<250x40xi32, #tpu.memory_space<vmem>> -> memref<1x40xi32, #tpu.memory_space<vmem>>
        %dma_wait3A_515 = tpu.memref_squeeze %dma_wait3A_514 : memref<1x40xi32, #tpu.memory_space<vmem>> -> memref<40xi32, #tpu.memory_space<vmem>>
        %dma_wait3A_516 = arith.constant 0 : i32
        %dma_wait3A_517 = arith.constant 0 : i32
        %dma_wait3A_518 = tpu.memref_slice %arg18[%dma_wait3A_516, %dma_wait3A_517] : memref<10240x128xbf16, #tpu.memory_space<vmem_shared>> -> memref<10240x128xbf16, #tpu.memory_space<vmem_shared>>
        tpu.wait_indirect_dma semaphore(%arg31 : memref<!tpu.dma_semaphore, #tpu.memory_space<semaphore_mem>>) src(%arg10 : memref<40x128xbf16, #tpu.memory_space<vmem>>) dst(%dma_wait3A_518 : memref<10240x128xbf16, #tpu.memory_space<vmem_shared>>)
        %add3A_519 = arith.constant 10 : i32
        %add3A_520 = arith.addi %add3A_246, %add3A_519 : i32
        %sub3A_521 = arith.constant 1 : i32
        %sub3A_522 = arith.subi %add3A_520, %sub3A_521 : i32
        %dma_start3A_523 = arith.constant 0 : i32
        %dma_start3A_524 = tpu.memref_slice %arg6[%sub3A_522, %dma_start3A_523] : memref<250x40xi32, #tpu.memory_space<vmem>> -> memref<1x40xi32, #tpu.memory_space<vmem>>
        %dma_start3A_525 = tpu.memref_squeeze %dma_start3A_524 : memref<1x40xi32, #tpu.memory_space<vmem>> -> memref<40xi32, #tpu.memory_space<vmem>>
        %dma_start3A_526 = arith.constant 0 : i32
        %dma_start3A_527 = arith.constant 0 : i32
        %dma_start3A_528 = tpu.memref_slice %arg2[%dma_start3A_526, %dma_start3A_527] : memref<10000x128xbf16, #tpu.memory_space<hbm>> -> memref<10000x128xbf16, #tpu.memory_space<hbm>>
        tpu.enqueue_indirect_dma source(%dma_start3A_528 : memref<10000x128xbf16, #tpu.memory_space<hbm>>) target(%arg10 : memref<40x128xbf16, #tpu.memory_space<vmem>>) offsets(%dma_start3A_525 : memref<40xi32, #tpu.memory_space<vmem>>) semaphore(%arg21 : memref<!tpu.dma_semaphore, #tpu.memory_space<semaphore_mem>>)
      } else {
      }
      %ge3A_271 = arith.constant 1 : i32
      %ge3A_272 = arith.cmpi sge, %add3A_246, %ge3A_271 : i32
      %add3A_273 = arith.constant 10 : i32
      %add3A_274 = arith.addi %add3A_246, %add3A_273 : i32
      %sub3A_275 = arith.constant 1 : i32
      %sub3A_276 = arith.subi %add3A_274, %sub3A_275 : i32
      %ge3A_277 = arith.constant 250 : i32
      %ge3A_278 = arith.cmpi sge, %sub3A_276, %ge3A_277 : i32
      %and3A_279 = arith.andi %ge3A_272, %ge3A_278 : i1
      %convert_element_type3A_280 = arith.extui %and3A_279 : i1 to i32
      %cond3A_281 = arith.constant 0 : i32
      %cond3A_282 = arith.cmpi ne, %convert_element_type3A_280, %cond3A_281 : i32
      scf.if %cond3A_282 {
        %sub3A_511 = arith.constant 1 : i32
        %sub3A_512 = arith.subi %add3A_246, %sub3A_511 : i32
        %dma_wait3A_513 = arith.constant 0 : i32
        %dma_wait3A_514 = tpu.memref_slice %arg7[%sub3A_512, %dma_wait3A_513] : memref<250x40xi32, #tpu.memory_space<vmem>> -> memref<1x40xi32, #tpu.memory_space<vmem>>
        %dma_wait3A_515 = tpu.memref_squeeze %dma_wait3A_514 : memref<1x40xi32, #tpu.memory_space<vmem>> -> memref<40xi32, #tpu.memory_space<vmem>>
        %dma_wait3A_516 = arith.constant 0 : i32
        %dma_wait3A_517 = arith.constant 0 : i32
        %dma_wait3A_518 = tpu.memref_slice %arg18[%dma_wait3A_516, %dma_wait3A_517] : memref<10240x128xbf16, #tpu.memory_space<vmem_shared>> -> memref<10240x128xbf16, #tpu.memory_space<vmem_shared>>
        tpu.wait_indirect_dma semaphore(%arg31 : memref<!tpu.dma_semaphore, #tpu.memory_space<semaphore_mem>>) src(%arg10 : memref<40x128xbf16, #tpu.memory_space<vmem>>) dst(%dma_wait3A_518 : memref<10240x128xbf16, #tpu.memory_space<vmem_shared>>)
      } else {
      }
      %add3A_283 = arith.constant 4 : i32
      %add3A_284 = arith.addi %add3A_134, %add3A_283 : i32
      %dma_wait3A_285 = arith.constant 0 : i32
      %dma_wait3A_286 = tpu.memref_slice %arg6[%add3A_284, %dma_wait3A_285] : memref<250x40xi32, #tpu.memory_space<vmem>> -> memref<1x40xi32, #tpu.memory_space<vmem>>
      %dma_wait3A_287 = tpu.memref_squeeze %dma_wait3A_286 : memref<1x40xi32, #tpu.memory_space<vmem>> -> memref<40xi32, #tpu.memory_space<vmem>>
      %dma_wait3A_288 = arith.constant 0 : i32
      %dma_wait3A_289 = arith.constant 0 : i32
      %dma_wait3A_290 = tpu.memref_slice %arg2[%dma_wait3A_288, %dma_wait3A_289] : memref<10000x128xbf16, #tpu.memory_space<hbm>> -> memref<10000x128xbf16, #tpu.memory_space<hbm>>
      tpu.wait_indirect_dma semaphore(%arg23 : memref<!tpu.dma_semaphore, #tpu.memory_space<semaphore_mem>>) src(%dma_wait3A_290 : memref<10000x128xbf16, #tpu.memory_space<hbm>>) dst(%arg12 : memref<40x128xbf16, #tpu.memory_space<vmem>>)
      %dma_start3A_291 = arith.constant 0 : i32
      %dma_start3A_292 = tpu.memref_slice %arg7[%add3A_284, %dma_start3A_291] : memref<250x40xi32, #tpu.memory_space<vmem>> -> memref<1x40xi32, #tpu.memory_space<vmem>>
      %dma_start3A_293 = tpu.memref_squeeze %dma_start3A_292 : memref<1x40xi32, #tpu.memory_space<vmem>> -> memref<40xi32, #tpu.memory_space<vmem>>
      %dma_start3A_294 = arith.constant 0 : i32
      %dma_start3A_295 = arith.constant 0 : i32
      %dma_start3A_296 = tpu.memref_slice %arg18[%dma_start3A_294, %dma_start3A_295] : memref<10240x128xbf16, #tpu.memory_space<vmem_shared>> -> memref<10240x128xbf16, #tpu.memory_space<vmem_shared>>
      tpu.enqueue_indirect_dma source(%arg12 : memref<40x128xbf16, #tpu.memory_space<vmem>>) target(%dma_start3A_296 : memref<10240x128xbf16, #tpu.memory_space<vmem_shared>>) offsets(%dma_start3A_293 : memref<40xi32, #tpu.memory_space<vmem>>) semaphore(%arg33 : memref<!tpu.dma_semaphore, #tpu.memory_space<semaphore_mem>>) {add = true}
      %ge3A_297 = arith.constant 1 : i32
      %ge3A_298 = arith.cmpi sge, %add3A_284, %ge3A_297 : i32
      %add3A_299 = arith.constant 10 : i32
      %add3A_300 = arith.addi %add3A_284, %add3A_299 : i32
      %sub3A_301 = arith.constant 1 : i32
      %sub3A_302 = arith.subi %add3A_300, %sub3A_301 : i32
      %lt3A_303 = arith.constant 250 : i32
      %lt3A_304 = arith.cmpi slt, %sub3A_302, %lt3A_303 : i32
      %and3A_305 = arith.andi %ge3A_298, %lt3A_304 : i1
      %convert_element_type3A_306 = arith.extui %and3A_305 : i1 to i32
      %cond3A_307 = arith.constant 0 : i32
      %cond3A_308 = arith.cmpi ne, %convert_element_type3A_306, %cond3A_307 : i32
      scf.if %cond3A_308 {
        %sub3A_511 = arith.constant 1 : i32
        %sub3A_512 = arith.subi %add3A_284, %sub3A_511 : i32
        %dma_wait3A_513 = arith.constant 0 : i32
        %dma_wait3A_514 = tpu.memref_slice %arg7[%sub3A_512, %dma_wait3A_513] : memref<250x40xi32, #tpu.memory_space<vmem>> -> memref<1x40xi32, #tpu.memory_space<vmem>>
        %dma_wait3A_515 = tpu.memref_squeeze %dma_wait3A_514 : memref<1x40xi32, #tpu.memory_space<vmem>> -> memref<40xi32, #tpu.memory_space<vmem>>
        %dma_wait3A_516 = arith.constant 0 : i32
        %dma_wait3A_517 = arith.constant 0 : i32
        %dma_wait3A_518 = tpu.memref_slice %arg18[%dma_wait3A_516, %dma_wait3A_517] : memref<10240x128xbf16, #tpu.memory_space<vmem_shared>> -> memref<10240x128xbf16, #tpu.memory_space<vmem_shared>>
        tpu.wait_indirect_dma semaphore(%arg32 : memref<!tpu.dma_semaphore, #tpu.memory_space<semaphore_mem>>) src(%arg11 : memref<40x128xbf16, #tpu.memory_space<vmem>>) dst(%dma_wait3A_518 : memref<10240x128xbf16, #tpu.memory_space<vmem_shared>>)
        %add3A_519 = arith.constant 10 : i32
        %add3A_520 = arith.addi %add3A_284, %add3A_519 : i32
        %sub3A_521 = arith.constant 1 : i32
        %sub3A_522 = arith.subi %add3A_520, %sub3A_521 : i32
        %dma_start3A_523 = arith.constant 0 : i32
        %dma_start3A_524 = tpu.memref_slice %arg6[%sub3A_522, %dma_start3A_523] : memref<250x40xi32, #tpu.memory_space<vmem>> -> memref<1x40xi32, #tpu.memory_space<vmem>>
        %dma_start3A_525 = tpu.memref_squeeze %dma_start3A_524 : memref<1x40xi32, #tpu.memory_space<vmem>> -> memref<40xi32, #tpu.memory_space<vmem>>
        %dma_start3A_526 = arith.constant 0 : i32
        %dma_start3A_527 = arith.constant 0 : i32
        %dma_start3A_528 = tpu.memref_slice %arg2[%dma_start3A_526, %dma_start3A_527] : memref<10000x128xbf16, #tpu.memory_space<hbm>> -> memref<10000x128xbf16, #tpu.memory_space<hbm>>
        tpu.enqueue_indirect_dma source(%dma_start3A_528 : memref<10000x128xbf16, #tpu.memory_space<hbm>>) target(%arg11 : memref<40x128xbf16, #tpu.memory_space<vmem>>) offsets(%dma_start3A_525 : memref<40xi32, #tpu.memory_space<vmem>>) semaphore(%arg22 : memref<!tpu.dma_semaphore, #tpu.memory_space<semaphore_mem>>)
      } else {
      }
      %ge3A_309 = arith.constant 1 : i32
      %ge3A_310 = arith.cmpi sge, %add3A_284, %ge3A_309 : i32
      %add3A_311 = arith.constant 10 : i32
      %add3A_312 = arith.addi %add3A_284, %add3A_311 : i32
      %sub3A_313 = arith.constant 1 : i32
      %sub3A_314 = arith.subi %add3A_312, %sub3A_313 : i32
      %ge3A_315 = arith.constant 250 : i32
      %ge3A_316 = arith.cmpi sge, %sub3A_314, %ge3A_315 : i32
      %and3A_317 = arith.andi %ge3A_310, %ge3A_316 : i1
      %convert_element_type3A_318 = arith.extui %and3A_317 : i1 to i32
      %cond3A_319 = arith.constant 0 : i32
      %cond3A_320 = arith.cmpi ne, %convert_element_type3A_318, %cond3A_319 : i32
      scf.if %cond3A_320 {
        %sub3A_511 = arith.constant 1 : i32
        %sub3A_512 = arith.subi %add3A_284, %sub3A_511 : i32
        %dma_wait3A_513 = arith.constant 0 : i32
        %dma_wait3A_514 = tpu.memref_slice %arg7[%sub3A_512, %dma_wait3A_513] : memref<250x40xi32, #tpu.memory_space<vmem>> -> memref<1x40xi32, #tpu.memory_space<vmem>>
        %dma_wait3A_515 = tpu.memref_squeeze %dma_wait3A_514 : memref<1x40xi32, #tpu.memory_space<vmem>> -> memref<40xi32, #tpu.memory_space<vmem>>
        %dma_wait3A_516 = arith.constant 0 : i32
        %dma_wait3A_517 = arith.constant 0 : i32
        %dma_wait3A_518 = tpu.memref_slice %arg18[%dma_wait3A_516, %dma_wait3A_517] : memref<10240x128xbf16, #tpu.memory_space<vmem_shared>> -> memref<10240x128xbf16, #tpu.memory_space<vmem_shared>>
        tpu.wait_indirect_dma semaphore(%arg32 : memref<!tpu.dma_semaphore, #tpu.memory_space<semaphore_mem>>) src(%arg11 : memref<40x128xbf16, #tpu.memory_space<vmem>>) dst(%dma_wait3A_518 : memref<10240x128xbf16, #tpu.memory_space<vmem_shared>>)
      } else {
      }
      %add3A_321 = arith.constant 5 : i32
      %add3A_322 = arith.addi %add3A_134, %add3A_321 : i32
      %dma_wait3A_323 = arith.constant 0 : i32
      %dma_wait3A_324 = tpu.memref_slice %arg6[%add3A_322, %dma_wait3A_323] : memref<250x40xi32, #tpu.memory_space<vmem>> -> memref<1x40xi32, #tpu.memory_space<vmem>>
      %dma_wait3A_325 = tpu.memref_squeeze %dma_wait3A_324 : memref<1x40xi32, #tpu.memory_space<vmem>> -> memref<40xi32, #tpu.memory_space<vmem>>
      %dma_wait3A_326 = arith.constant 0 : i32
      %dma_wait3A_327 = arith.constant 0 : i32
      %dma_wait3A_328 = tpu.memref_slice %arg2[%dma_wait3A_326, %dma_wait3A_327] : memref<10000x128xbf16, #tpu.memory_space<hbm>> -> memref<10000x128xbf16, #tpu.memory_space<hbm>>
      tpu.wait_indirect_dma semaphore(%arg24 : memref<!tpu.dma_semaphore, #tpu.memory_space<semaphore_mem>>) src(%dma_wait3A_328 : memref<10000x128xbf16, #tpu.memory_space<hbm>>) dst(%arg13 : memref<40x128xbf16, #tpu.memory_space<vmem>>)
      %dma_start3A_329 = arith.constant 0 : i32
      %dma_start3A_330 = tpu.memref_slice %arg7[%add3A_322, %dma_start3A_329] : memref<250x40xi32, #tpu.memory_space<vmem>> -> memref<1x40xi32, #tpu.memory_space<vmem>>
      %dma_start3A_331 = tpu.memref_squeeze %dma_start3A_330 : memref<1x40xi32, #tpu.memory_space<vmem>> -> memref<40xi32, #tpu.memory_space<vmem>>
      %dma_start3A_332 = arith.constant 0 : i32
      %dma_start3A_333 = arith.constant 0 : i32
      %dma_start3A_334 = tpu.memref_slice %arg18[%dma_start3A_332, %dma_start3A_333] : memref<10240x128xbf16, #tpu.memory_space<vmem_shared>> -> memref<10240x128xbf16, #tpu.memory_space<vmem_shared>>
      tpu.enqueue_indirect_dma source(%arg13 : memref<40x128xbf16, #tpu.memory_space<vmem>>) target(%dma_start3A_334 : memref<10240x128xbf16, #tpu.memory_space<vmem_shared>>) offsets(%dma_start3A_331 : memref<40xi32, #tpu.memory_space<vmem>>) semaphore(%arg34 : memref<!tpu.dma_semaphore, #tpu.memory_space<semaphore_mem>>) {add = true}
      %ge3A_335 = arith.constant 1 : i32
      %ge3A_336 = arith.cmpi sge, %add3A_322, %ge3A_335 : i32
      %add3A_337 = arith.constant 10 : i32
      %add3A_338 = arith.addi %add3A_322, %add3A_337 : i32
      %sub3A_339 = arith.constant 1 : i32
      %sub3A_340 = arith.subi %add3A_338, %sub3A_339 : i32
      %lt3A_341 = arith.constant 250 : i32
      %lt3A_342 = arith.cmpi slt, %sub3A_340, %lt3A_341 : i32
      %and3A_343 = arith.andi %ge3A_336, %lt3A_342 : i1
      %convert_element_type3A_344 = arith.extui %and3A_343 : i1 to i32
      %cond3A_345 = arith.constant 0 : i32
      %cond3A_346 = arith.cmpi ne, %convert_element_type3A_344, %cond3A_345 : i32
      scf.if %cond3A_346 {
        %sub3A_511 = arith.constant 1 : i32
        %sub3A_512 = arith.subi %add3A_322, %sub3A_511 : i32
        %dma_wait3A_513 = arith.constant 0 : i32
        %dma_wait3A_514 = tpu.memref_slice %arg7[%sub3A_512, %dma_wait3A_513] : memref<250x40xi32, #tpu.memory_space<vmem>> -> memref<1x40xi32, #tpu.memory_space<vmem>>
        %dma_wait3A_515 = tpu.memref_squeeze %dma_wait3A_514 : memref<1x40xi32, #tpu.memory_space<vmem>> -> memref<40xi32, #tpu.memory_space<vmem>>
        %dma_wait3A_516 = arith.constant 0 : i32
        %dma_wait3A_517 = arith.constant 0 : i32
        %dma_wait3A_518 = tpu.memref_slice %arg18[%dma_wait3A_516, %dma_wait3A_517] : memref<10240x128xbf16, #tpu.memory_space<vmem_shared>> -> memref<10240x128xbf16, #tpu.memory_space<vmem_shared>>
        tpu.wait_indirect_dma semaphore(%arg33 : memref<!tpu.dma_semaphore, #tpu.memory_space<semaphore_mem>>) src(%arg12 : memref<40x128xbf16, #tpu.memory_space<vmem>>) dst(%dma_wait3A_518 : memref<10240x128xbf16, #tpu.memory_space<vmem_shared>>)
        %add3A_519 = arith.constant 10 : i32
        %add3A_520 = arith.addi %add3A_322, %add3A_519 : i32
        %sub3A_521 = arith.constant 1 : i32
        %sub3A_522 = arith.subi %add3A_520, %sub3A_521 : i32
        %dma_start3A_523 = arith.constant 0 : i32
        %dma_start3A_524 = tpu.memref_slice %arg6[%sub3A_522, %dma_start3A_523] : memref<250x40xi32, #tpu.memory_space<vmem>> -> memref<1x40xi32, #tpu.memory_space<vmem>>
        %dma_start3A_525 = tpu.memref_squeeze %dma_start3A_524 : memref<1x40xi32, #tpu.memory_space<vmem>> -> memref<40xi32, #tpu.memory_space<vmem>>
        %dma_start3A_526 = arith.constant 0 : i32
        %dma_start3A_527 = arith.constant 0 : i32
        %dma_start3A_528 = tpu.memref_slice %arg2[%dma_start3A_526, %dma_start3A_527] : memref<10000x128xbf16, #tpu.memory_space<hbm>> -> memref<10000x128xbf16, #tpu.memory_space<hbm>>
        tpu.enqueue_indirect_dma source(%dma_start3A_528 : memref<10000x128xbf16, #tpu.memory_space<hbm>>) target(%arg12 : memref<40x128xbf16, #tpu.memory_space<vmem>>) offsets(%dma_start3A_525 : memref<40xi32, #tpu.memory_space<vmem>>) semaphore(%arg23 : memref<!tpu.dma_semaphore, #tpu.memory_space<semaphore_mem>>)
      } else {
      }
      %ge3A_347 = arith.constant 1 : i32
      %ge3A_348 = arith.cmpi sge, %add3A_322, %ge3A_347 : i32
      %add3A_349 = arith.constant 10 : i32
      %add3A_350 = arith.addi %add3A_322, %add3A_349 : i32
      %sub3A_351 = arith.constant 1 : i32
      %sub3A_352 = arith.subi %add3A_350, %sub3A_351 : i32
      %ge3A_353 = arith.constant 250 : i32
      %ge3A_354 = arith.cmpi sge, %sub3A_352, %ge3A_353 : i32
      %and3A_355 = arith.andi %ge3A_348, %ge3A_354 : i1
      %convert_element_type3A_356 = arith.extui %and3A_355 : i1 to i32
      %cond3A_357 = arith.constant 0 : i32
      %cond3A_358 = arith.cmpi ne, %convert_element_type3A_356, %cond3A_357 : i32
      scf.if %cond3A_358 {
        %sub3A_511 = arith.constant 1 : i32
        %sub3A_512 = arith.subi %add3A_322, %sub3A_511 : i32
        %dma_wait3A_513 = arith.constant 0 : i32
        %dma_wait3A_514 = tpu.memref_slice %arg7[%sub3A_512, %dma_wait3A_513] : memref<250x40xi32, #tpu.memory_space<vmem>> -> memref<1x40xi32, #tpu.memory_space<vmem>>
        %dma_wait3A_515 = tpu.memref_squeeze %dma_wait3A_514 : memref<1x40xi32, #tpu.memory_space<vmem>> -> memref<40xi32, #tpu.memory_space<vmem>>
        %dma_wait3A_516 = arith.constant 0 : i32
        %dma_wait3A_517 = arith.constant 0 : i32
        %dma_wait3A_518 = tpu.memref_slice %arg18[%dma_wait3A_516, %dma_wait3A_517] : memref<10240x128xbf16, #tpu.memory_space<vmem_shared>> -> memref<10240x128xbf16, #tpu.memory_space<vmem_shared>>
        tpu.wait_indirect_dma semaphore(%arg33 : memref<!tpu.dma_semaphore, #tpu.memory_space<semaphore_mem>>) src(%arg12 : memref<40x128xbf16, #tpu.memory_space<vmem>>) dst(%dma_wait3A_518 : memref<10240x128xbf16, #tpu.memory_space<vmem_shared>>)
      } else {
      }
      %add3A_359 = arith.constant 6 : i32
      %add3A_360 = arith.addi %add3A_134, %add3A_359 : i32
      %dma_wait3A_361 = arith.constant 0 : i32
      %dma_wait3A_362 = tpu.memref_slice %arg6[%add3A_360, %dma_wait3A_361] : memref<250x40xi32, #tpu.memory_space<vmem>> -> memref<1x40xi32, #tpu.memory_space<vmem>>
      %dma_wait3A_363 = tpu.memref_squeeze %dma_wait3A_362 : memref<1x40xi32, #tpu.memory_space<vmem>> -> memref<40xi32, #tpu.memory_space<vmem>>
      %dma_wait3A_364 = arith.constant 0 : i32
      %dma_wait3A_365 = arith.constant 0 : i32
      %dma_wait3A_366 = tpu.memref_slice %arg2[%dma_wait3A_364, %dma_wait3A_365] : memref<10000x128xbf16, #tpu.memory_space<hbm>> -> memref<10000x128xbf16, #tpu.memory_space<hbm>>
      tpu.wait_indirect_dma semaphore(%arg25 : memref<!tpu.dma_semaphore, #tpu.memory_space<semaphore_mem>>) src(%dma_wait3A_366 : memref<10000x128xbf16, #tpu.memory_space<hbm>>) dst(%arg14 : memref<40x128xbf16, #tpu.memory_space<vmem>>)
      %dma_start3A_367 = arith.constant 0 : i32
      %dma_start3A_368 = tpu.memref_slice %arg7[%add3A_360, %dma_start3A_367] : memref<250x40xi32, #tpu.memory_space<vmem>> -> memref<1x40xi32, #tpu.memory_space<vmem>>
      %dma_start3A_369 = tpu.memref_squeeze %dma_start3A_368 : memref<1x40xi32, #tpu.memory_space<vmem>> -> memref<40xi32, #tpu.memory_space<vmem>>
      %dma_start3A_370 = arith.constant 0 : i32
      %dma_start3A_371 = arith.constant 0 : i32
      %dma_start3A_372 = tpu.memref_slice %arg18[%dma_start3A_370, %dma_start3A_371] : memref<10240x128xbf16, #tpu.memory_space<vmem_shared>> -> memref<10240x128xbf16, #tpu.memory_space<vmem_shared>>
      tpu.enqueue_indirect_dma source(%arg14 : memref<40x128xbf16, #tpu.memory_space<vmem>>) target(%dma_start3A_372 : memref<10240x128xbf16, #tpu.memory_space<vmem_shared>>) offsets(%dma_start3A_369 : memref<40xi32, #tpu.memory_space<vmem>>) semaphore(%arg35 : memref<!tpu.dma_semaphore, #tpu.memory_space<semaphore_mem>>) {add = true}
      %ge3A_373 = arith.constant 1 : i32
      %ge3A_374 = arith.cmpi sge, %add3A_360, %ge3A_373 : i32
      %add3A_375 = arith.constant 10 : i32
      %add3A_376 = arith.addi %add3A_360, %add3A_375 : i32
      %sub3A_377 = arith.constant 1 : i32
      %sub3A_378 = arith.subi %add3A_376, %sub3A_377 : i32
      %lt3A_379 = arith.constant 250 : i32
      %lt3A_380 = arith.cmpi slt, %sub3A_378, %lt3A_379 : i32
      %and3A_381 = arith.andi %ge3A_374, %lt3A_380 : i1
      %convert_element_type3A_382 = arith.extui %and3A_381 : i1 to i32
      %cond3A_383 = arith.constant 0 : i32
      %cond3A_384 = arith.cmpi ne, %convert_element_type3A_382, %cond3A_383 : i32
      scf.if %cond3A_384 {
        %sub3A_511 = arith.constant 1 : i32
        %sub3A_512 = arith.subi %add3A_360, %sub3A_511 : i32
        %dma_wait3A_513 = arith.constant 0 : i32
        %dma_wait3A_514 = tpu.memref_slice %arg7[%sub3A_512, %dma_wait3A_513] : memref<250x40xi32, #tpu.memory_space<vmem>> -> memref<1x40xi32, #tpu.memory_space<vmem>>
        %dma_wait3A_515 = tpu.memref_squeeze %dma_wait3A_514 : memref<1x40xi32, #tpu.memory_space<vmem>> -> memref<40xi32, #tpu.memory_space<vmem>>
        %dma_wait3A_516 = arith.constant 0 : i32
        %dma_wait3A_517 = arith.constant 0 : i32
        %dma_wait3A_518 = tpu.memref_slice %arg18[%dma_wait3A_516, %dma_wait3A_517] : memref<10240x128xbf16, #tpu.memory_space<vmem_shared>> -> memref<10240x128xbf16, #tpu.memory_space<vmem_shared>>
        tpu.wait_indirect_dma semaphore(%arg34 : memref<!tpu.dma_semaphore, #tpu.memory_space<semaphore_mem>>) src(%arg13 : memref<40x128xbf16, #tpu.memory_space<vmem>>) dst(%dma_wait3A_518 : memref<10240x128xbf16, #tpu.memory_space<vmem_shared>>)
        %add3A_519 = arith.constant 10 : i32
        %add3A_520 = arith.addi %add3A_360, %add3A_519 : i32
        %sub3A_521 = arith.constant 1 : i32
        %sub3A_522 = arith.subi %add3A_520, %sub3A_521 : i32
        %dma_start3A_523 = arith.constant 0 : i32
        %dma_start3A_524 = tpu.memref_slice %arg6[%sub3A_522, %dma_start3A_523] : memref<250x40xi32, #tpu.memory_space<vmem>> -> memref<1x40xi32, #tpu.memory_space<vmem>>
        %dma_start3A_525 = tpu.memref_squeeze %dma_start3A_524 : memref<1x40xi32, #tpu.memory_space<vmem>> -> memref<40xi32, #tpu.memory_space<vmem>>
        %dma_start3A_526 = arith.constant 0 : i32
        %dma_start3A_527 = arith.constant 0 : i32
        %dma_start3A_528 = tpu.memref_slice %arg2[%dma_start3A_526, %dma_start3A_527] : memref<10000x128xbf16, #tpu.memory_space<hbm>> -> memref<10000x128xbf16, #tpu.memory_space<hbm>>
        tpu.enqueue_indirect_dma source(%dma_start3A_528 : memref<10000x128xbf16, #tpu.memory_space<hbm>>) target(%arg13 : memref<40x128xbf16, #tpu.memory_space<vmem>>) offsets(%dma_start3A_525 : memref<40xi32, #tpu.memory_space<vmem>>) semaphore(%arg24 : memref<!tpu.dma_semaphore, #tpu.memory_space<semaphore_mem>>)
      } else {
      }
      %ge3A_385 = arith.constant 1 : i32
      %ge3A_386 = arith.cmpi sge, %add3A_360, %ge3A_385 : i32
      %add3A_387 = arith.constant 10 : i32
      %add3A_388 = arith.addi %add3A_360, %add3A_387 : i32
      %sub3A_389 = arith.constant 1 : i32
      %sub3A_390 = arith.subi %add3A_388, %sub3A_389 : i32
      %ge3A_391 = arith.constant 250 : i32
      %ge3A_392 = arith.cmpi sge, %sub3A_390, %ge3A_391 : i32
      %and3A_393 = arith.andi %ge3A_386, %ge3A_392 : i1
      %convert_element_type3A_394 = arith.extui %and3A_393 : i1 to i32
      %cond3A_395 = arith.constant 0 : i32
      %cond3A_396 = arith.cmpi ne, %convert_element_type3A_394, %cond3A_395 : i32
      scf.if %cond3A_396 {
        %sub3A_511 = arith.constant 1 : i32
        %sub3A_512 = arith.subi %add3A_360, %sub3A_511 : i32
        %dma_wait3A_513 = arith.constant 0 : i32
        %dma_wait3A_514 = tpu.memref_slice %arg7[%sub3A_512, %dma_wait3A_513] : memref<250x40xi32, #tpu.memory_space<vmem>> -> memref<1x40xi32, #tpu.memory_space<vmem>>
        %dma_wait3A_515 = tpu.memref_squeeze %dma_wait3A_514 : memref<1x40xi32, #tpu.memory_space<vmem>> -> memref<40xi32, #tpu.memory_space<vmem>>
        %dma_wait3A_516 = arith.constant 0 : i32
        %dma_wait3A_517 = arith.constant 0 : i32
        %dma_wait3A_518 = tpu.memref_slice %arg18[%dma_wait3A_516, %dma_wait3A_517] : memref<10240x128xbf16, #tpu.memory_space<vmem_shared>> -> memref<10240x128xbf16, #tpu.memory_space<vmem_shared>>
        tpu.wait_indirect_dma semaphore(%arg34 : memref<!tpu.dma_semaphore, #tpu.memory_space<semaphore_mem>>) src(%arg13 : memref<40x128xbf16, #tpu.memory_space<vmem>>) dst(%dma_wait3A_518 : memref<10240x128xbf16, #tpu.memory_space<vmem_shared>>)
      } else {
      }
      %add3A_397 = arith.constant 7 : i32
      %add3A_398 = arith.addi %add3A_134, %add3A_397 : i32
      %dma_wait3A_399 = arith.constant 0 : i32
      %dma_wait3A_400 = tpu.memref_slice %arg6[%add3A_398, %dma_wait3A_399] : memref<250x40xi32, #tpu.memory_space<vmem>> -> memref<1x40xi32, #tpu.memory_space<vmem>>
      %dma_wait3A_401 = tpu.memref_squeeze %dma_wait3A_400 : memref<1x40xi32, #tpu.memory_space<vmem>> -> memref<40xi32, #tpu.memory_space<vmem>>
      %dma_wait3A_402 = arith.constant 0 : i32
      %dma_wait3A_403 = arith.constant 0 : i32
      %dma_wait3A_404 = tpu.memref_slice %arg2[%dma_wait3A_402, %dma_wait3A_403] : memref<10000x128xbf16, #tpu.memory_space<hbm>> -> memref<10000x128xbf16, #tpu.memory_space<hbm>>
      tpu.wait_indirect_dma semaphore(%arg26 : memref<!tpu.dma_semaphore, #tpu.memory_space<semaphore_mem>>) src(%dma_wait3A_404 : memref<10000x128xbf16, #tpu.memory_space<hbm>>) dst(%arg15 : memref<40x128xbf16, #tpu.memory_space<vmem>>)
      %dma_start3A_405 = arith.constant 0 : i32
      %dma_start3A_406 = tpu.memref_slice %arg7[%add3A_398, %dma_start3A_405] : memref<250x40xi32, #tpu.memory_space<vmem>> -> memref<1x40xi32, #tpu.memory_space<vmem>>
      %dma_start3A_407 = tpu.memref_squeeze %dma_start3A_406 : memref<1x40xi32, #tpu.memory_space<vmem>> -> memref<40xi32, #tpu.memory_space<vmem>>
      %dma_start3A_408 = arith.constant 0 : i32
      %dma_start3A_409 = arith.constant 0 : i32
      %dma_start3A_410 = tpu.memref_slice %arg18[%dma_start3A_408, %dma_start3A_409] : memref<10240x128xbf16, #tpu.memory_space<vmem_shared>> -> memref<10240x128xbf16, #tpu.memory_space<vmem_shared>>
      tpu.enqueue_indirect_dma source(%arg15 : memref<40x128xbf16, #tpu.memory_space<vmem>>) target(%dma_start3A_410 : memref<10240x128xbf16, #tpu.memory_space<vmem_shared>>) offsets(%dma_start3A_407 : memref<40xi32, #tpu.memory_space<vmem>>) semaphore(%arg36 : memref<!tpu.dma_semaphore, #tpu.memory_space<semaphore_mem>>) {add = true}
      %ge3A_411 = arith.constant 1 : i32
      %ge3A_412 = arith.cmpi sge, %add3A_398, %ge3A_411 : i32
      %add3A_413 = arith.constant 10 : i32
      %add3A_414 = arith.addi %add3A_398, %add3A_413 : i32
      %sub3A_415 = arith.constant 1 : i32
      %sub3A_416 = arith.subi %add3A_414, %sub3A_415 : i32
      %lt3A_417 = arith.constant 250 : i32
      %lt3A_418 = arith.cmpi slt, %sub3A_416, %lt3A_417 : i32
      %and3A_419 = arith.andi %ge3A_412, %lt3A_418 : i1
      %convert_element_type3A_420 = arith.extui %and3A_419 : i1 to i32
      %cond3A_421 = arith.constant 0 : i32
      %cond3A_422 = arith.cmpi ne, %convert_element_type3A_420, %cond3A_421 : i32
      scf.if %cond3A_422 {
        %sub3A_511 = arith.constant 1 : i32
        %sub3A_512 = arith.subi %add3A_398, %sub3A_511 : i32
        %dma_wait3A_513 = arith.constant 0 : i32
        %dma_wait3A_514 = tpu.memref_slice %arg7[%sub3A_512, %dma_wait3A_513] : memref<250x40xi32, #tpu.memory_space<vmem>> -> memref<1x40xi32, #tpu.memory_space<vmem>>
        %dma_wait3A_515 = tpu.memref_squeeze %dma_wait3A_514 : memref<1x40xi32, #tpu.memory_space<vmem>> -> memref<40xi32, #tpu.memory_space<vmem>>
        %dma_wait3A_516 = arith.constant 0 : i32
        %dma_wait3A_517 = arith.constant 0 : i32
        %dma_wait3A_518 = tpu.memref_slice %arg18[%dma_wait3A_516, %dma_wait3A_517] : memref<10240x128xbf16, #tpu.memory_space<vmem_shared>> -> memref<10240x128xbf16, #tpu.memory_space<vmem_shared>>
        tpu.wait_indirect_dma semaphore(%arg35 : memref<!tpu.dma_semaphore, #tpu.memory_space<semaphore_mem>>) src(%arg14 : memref<40x128xbf16, #tpu.memory_space<vmem>>) dst(%dma_wait3A_518 : memref<10240x128xbf16, #tpu.memory_space<vmem_shared>>)
        %add3A_519 = arith.constant 10 : i32
        %add3A_520 = arith.addi %add3A_398, %add3A_519 : i32
        %sub3A_521 = arith.constant 1 : i32
        %sub3A_522 = arith.subi %add3A_520, %sub3A_521 : i32
        %dma_start3A_523 = arith.constant 0 : i32
        %dma_start3A_524 = tpu.memref_slice %arg6[%sub3A_522, %dma_start3A_523] : memref<250x40xi32, #tpu.memory_space<vmem>> -> memref<1x40xi32, #tpu.memory_space<vmem>>
        %dma_start3A_525 = tpu.memref_squeeze %dma_start3A_524 : memref<1x40xi32, #tpu.memory_space<vmem>> -> memref<40xi32, #tpu.memory_space<vmem>>
        %dma_start3A_526 = arith.constant 0 : i32
        %dma_start3A_527 = arith.constant 0 : i32
        %dma_start3A_528 = tpu.memref_slice %arg2[%dma_start3A_526, %dma_start3A_527] : memref<10000x128xbf16, #tpu.memory_space<hbm>> -> memref<10000x128xbf16, #tpu.memory_space<hbm>>
        tpu.enqueue_indirect_dma source(%dma_start3A_528 : memref<10000x128xbf16, #tpu.memory_space<hbm>>) target(%arg14 : memref<40x128xbf16, #tpu.memory_space<vmem>>) offsets(%dma_start3A_525 : memref<40xi32, #tpu.memory_space<vmem>>) semaphore(%arg25 : memref<!tpu.dma_semaphore, #tpu.memory_space<semaphore_mem>>)
      } else {
      }
      %ge3A_423 = arith.constant 1 : i32
      %ge3A_424 = arith.cmpi sge, %add3A_398, %ge3A_423 : i32
      %add3A_425 = arith.constant 10 : i32
      %add3A_426 = arith.addi %add3A_398, %add3A_425 : i32
      %sub3A_427 = arith.constant 1 : i32
      %sub3A_428 = arith.subi %add3A_426, %sub3A_427 : i32
      %ge3A_429 = arith.constant 250 : i32
      %ge3A_430 = arith.cmpi sge, %sub3A_428, %ge3A_429 : i32
      %and3A_431 = arith.andi %ge3A_424, %ge3A_430 : i1
      %convert_element_type3A_432 = arith.extui %and3A_431 : i1 to i32
      %cond3A_433 = arith.constant 0 : i32
      %cond3A_434 = arith.cmpi ne, %convert_element_type3A_432, %cond3A_433 : i32
      scf.if %cond3A_434 {
        %sub3A_511 = arith.constant 1 : i32
        %sub3A_512 = arith.subi %add3A_398, %sub3A_511 : i32
        %dma_wait3A_513 = arith.constant 0 : i32
        %dma_wait3A_514 = tpu.memref_slice %arg7[%sub3A_512, %dma_wait3A_513] : memref<250x40xi32, #tpu.memory_space<vmem>> -> memref<1x40xi32, #tpu.memory_space<vmem>>
        %dma_wait3A_515 = tpu.memref_squeeze %dma_wait3A_514 : memref<1x40xi32, #tpu.memory_space<vmem>> -> memref<40xi32, #tpu.memory_space<vmem>>
        %dma_wait3A_516 = arith.constant 0 : i32
        %dma_wait3A_517 = arith.constant 0 : i32
        %dma_wait3A_518 = tpu.memref_slice %arg18[%dma_wait3A_516, %dma_wait3A_517] : memref<10240x128xbf16, #tpu.memory_space<vmem_shared>> -> memref<10240x128xbf16, #tpu.memory_space<vmem_shared>>
        tpu.wait_indirect_dma semaphore(%arg35 : memref<!tpu.dma_semaphore, #tpu.memory_space<semaphore_mem>>) src(%arg14 : memref<40x128xbf16, #tpu.memory_space<vmem>>) dst(%dma_wait3A_518 : memref<10240x128xbf16, #tpu.memory_space<vmem_shared>>)
      } else {
      }
      %add3A_435 = arith.constant 8 : i32
      %add3A_436 = arith.addi %add3A_134, %add3A_435 : i32
      %dma_wait3A_437 = arith.constant 0 : i32
      %dma_wait3A_438 = tpu.memref_slice %arg6[%add3A_436, %dma_wait3A_437] : memref<250x40xi32, #tpu.memory_space<vmem>> -> memref<1x40xi32, #tpu.memory_space<vmem>>
      %dma_wait3A_439 = tpu.memref_squeeze %dma_wait3A_438 : memref<1x40xi32, #tpu.memory_space<vmem>> -> memref<40xi32, #tpu.memory_space<vmem>>
      %dma_wait3A_440 = arith.constant 0 : i32
      %dma_wait3A_441 = arith.constant 0 : i32
      %dma_wait3A_442 = tpu.memref_slice %arg2[%dma_wait3A_440, %dma_wait3A_441] : memref<10000x128xbf16, #tpu.memory_space<hbm>> -> memref<10000x128xbf16, #tpu.memory_space<hbm>>
      tpu.wait_indirect_dma semaphore(%arg27 : memref<!tpu.dma_semaphore, #tpu.memory_space<semaphore_mem>>) src(%dma_wait3A_442 : memref<10000x128xbf16, #tpu.memory_space<hbm>>) dst(%arg16 : memref<40x128xbf16, #tpu.memory_space<vmem>>)
      %dma_start3A_443 = arith.constant 0 : i32
      %dma_start3A_444 = tpu.memref_slice %arg7[%add3A_436, %dma_start3A_443] : memref<250x40xi32, #tpu.memory_space<vmem>> -> memref<1x40xi32, #tpu.memory_space<vmem>>
      %dma_start3A_445 = tpu.memref_squeeze %dma_start3A_444 : memref<1x40xi32, #tpu.memory_space<vmem>> -> memref<40xi32, #tpu.memory_space<vmem>>
      %dma_start3A_446 = arith.constant 0 : i32
      %dma_start3A_447 = arith.constant 0 : i32
      %dma_start3A_448 = tpu.memref_slice %arg18[%dma_start3A_446, %dma_start3A_447] : memref<10240x128xbf16, #tpu.memory_space<vmem_shared>> -> memref<10240x128xbf16, #tpu.memory_space<vmem_shared>>
      tpu.enqueue_indirect_dma source(%arg16 : memref<40x128xbf16, #tpu.memory_space<vmem>>) target(%dma_start3A_448 : memref<10240x128xbf16, #tpu.memory_space<vmem_shared>>) offsets(%dma_start3A_445 : memref<40xi32, #tpu.memory_space<vmem>>) semaphore(%arg37 : memref<!tpu.dma_semaphore, #tpu.memory_space<semaphore_mem>>) {add = true}
      %ge3A_449 = arith.constant 1 : i32
      %ge3A_450 = arith.cmpi sge, %add3A_436, %ge3A_449 : i32
      %add3A_451 = arith.constant 10 : i32
      %add3A_452 = arith.addi %add3A_436, %add3A_451 : i32
      %sub3A_453 = arith.constant 1 : i32
      %sub3A_454 = arith.subi %add3A_452, %sub3A_453 : i32
      %lt3A_455 = arith.constant 250 : i32
      %lt3A_456 = arith.cmpi slt, %sub3A_454, %lt3A_455 : i32
      %and3A_457 = arith.andi %ge3A_450, %lt3A_456 : i1
      %convert_element_type3A_458 = arith.extui %and3A_457 : i1 to i32
      %cond3A_459 = arith.constant 0 : i32
      %cond3A_460 = arith.cmpi ne, %convert_element_type3A_458, %cond3A_459 : i32
      scf.if %cond3A_460 {
        %sub3A_511 = arith.constant 1 : i32
        %sub3A_512 = arith.subi %add3A_436, %sub3A_511 : i32
        %dma_wait3A_513 = arith.constant 0 : i32
        %dma_wait3A_514 = tpu.memref_slice %arg7[%sub3A_512, %dma_wait3A_513] : memref<250x40xi32, #tpu.memory_space<vmem>> -> memref<1x40xi32, #tpu.memory_space<vmem>>
        %dma_wait3A_515 = tpu.memref_squeeze %dma_wait3A_514 : memref<1x40xi32, #tpu.memory_space<vmem>> -> memref<40xi32, #tpu.memory_space<vmem>>
        %dma_wait3A_516 = arith.constant 0 : i32
        %dma_wait3A_517 = arith.constant 0 : i32
        %dma_wait3A_518 = tpu.memref_slice %arg18[%dma_wait3A_516, %dma_wait3A_517] : memref<10240x128xbf16, #tpu.memory_space<vmem_shared>> -> memref<10240x128xbf16, #tpu.memory_space<vmem_shared>>
        tpu.wait_indirect_dma semaphore(%arg36 : memref<!tpu.dma_semaphore, #tpu.memory_space<semaphore_mem>>) src(%arg15 : memref<40x128xbf16, #tpu.memory_space<vmem>>) dst(%dma_wait3A_518 : memref<10240x128xbf16, #tpu.memory_space<vmem_shared>>)
        %add3A_519 = arith.constant 10 : i32
        %add3A_520 = arith.addi %add3A_436, %add3A_519 : i32
        %sub3A_521 = arith.constant 1 : i32
        %sub3A_522 = arith.subi %add3A_520, %sub3A_521 : i32
        %dma_start3A_523 = arith.constant 0 : i32
        %dma_start3A_524 = tpu.memref_slice %arg6[%sub3A_522, %dma_start3A_523] : memref<250x40xi32, #tpu.memory_space<vmem>> -> memref<1x40xi32, #tpu.memory_space<vmem>>
        %dma_start3A_525 = tpu.memref_squeeze %dma_start3A_524 : memref<1x40xi32, #tpu.memory_space<vmem>> -> memref<40xi32, #tpu.memory_space<vmem>>
        %dma_start3A_526 = arith.constant 0 : i32
        %dma_start3A_527 = arith.constant 0 : i32
        %dma_start3A_528 = tpu.memref_slice %arg2[%dma_start3A_526, %dma_start3A_527] : memref<10000x128xbf16, #tpu.memory_space<hbm>> -> memref<10000x128xbf16, #tpu.memory_space<hbm>>
        tpu.enqueue_indirect_dma source(%dma_start3A_528 : memref<10000x128xbf16, #tpu.memory_space<hbm>>) target(%arg15 : memref<40x128xbf16, #tpu.memory_space<vmem>>) offsets(%dma_start3A_525 : memref<40xi32, #tpu.memory_space<vmem>>) semaphore(%arg26 : memref<!tpu.dma_semaphore, #tpu.memory_space<semaphore_mem>>)
      } else {
      }
      %ge3A_461 = arith.constant 1 : i32
      %ge3A_462 = arith.cmpi sge, %add3A_436, %ge3A_461 : i32
      %add3A_463 = arith.constant 10 : i32
      %add3A_464 = arith.addi %add3A_436, %add3A_463 : i32
      %sub3A_465 = arith.constant 1 : i32
      %sub3A_466 = arith.subi %add3A_464, %sub3A_465 : i32
      %ge3A_467 = arith.constant 250 : i32
      %ge3A_468 = arith.cmpi sge, %sub3A_466, %ge3A_467 : i32
      %and3A_469 = arith.andi %ge3A_462, %ge3A_468 : i1
      %convert_element_type3A_470 = arith.extui %and3A_469 : i1 to i32
      %cond3A_471 = arith.constant 0 : i32
      %cond3A_472 = arith.cmpi ne, %convert_element_type3A_470, %cond3A_471 : i32
      scf.if %cond3A_472 {
        %sub3A_511 = arith.constant 1 : i32
        %sub3A_512 = arith.subi %add3A_436, %sub3A_511 : i32
        %dma_wait3A_513 = arith.constant 0 : i32
        %dma_wait3A_514 = tpu.memref_slice %arg7[%sub3A_512, %dma_wait3A_513] : memref<250x40xi32, #tpu.memory_space<vmem>> -> memref<1x40xi32, #tpu.memory_space<vmem>>
        %dma_wait3A_515 = tpu.memref_squeeze %dma_wait3A_514 : memref<1x40xi32, #tpu.memory_space<vmem>> -> memref<40xi32, #tpu.memory_space<vmem>>
        %dma_wait3A_516 = arith.constant 0 : i32
        %dma_wait3A_517 = arith.constant 0 : i32
        %dma_wait3A_518 = tpu.memref_slice %arg18[%dma_wait3A_516, %dma_wait3A_517] : memref<10240x128xbf16, #tpu.memory_space<vmem_shared>> -> memref<10240x128xbf16, #tpu.memory_space<vmem_shared>>
        tpu.wait_indirect_dma semaphore(%arg36 : memref<!tpu.dma_semaphore, #tpu.memory_space<semaphore_mem>>) src(%arg15 : memref<40x128xbf16, #tpu.memory_space<vmem>>) dst(%dma_wait3A_518 : memref<10240x128xbf16, #tpu.memory_space<vmem_shared>>)
      } else {
      }
      %add3A_473 = arith.constant 9 : i32
      %add3A_474 = arith.addi %add3A_134, %add3A_473 : i32
      %dma_wait3A_475 = arith.constant 0 : i32
      %dma_wait3A_476 = tpu.memref_slice %arg6[%add3A_474, %dma_wait3A_475] : memref<250x40xi32, #tpu.memory_space<vmem>> -> memref<1x40xi32, #tpu.memory_space<vmem>>
      %dma_wait3A_477 = tpu.memref_squeeze %dma_wait3A_476 : memref<1x40xi32, #tpu.memory_space<vmem>> -> memref<40xi32, #tpu.memory_space<vmem>>
      %dma_wait3A_478 = arith.constant 0 : i32
      %dma_wait3A_479 = arith.constant 0 : i32
      %dma_wait3A_480 = tpu.memref_slice %arg2[%dma_wait3A_478, %dma_wait3A_479] : memref<10000x128xbf16, #tpu.memory_space<hbm>> -> memref<10000x128xbf16, #tpu.memory_space<hbm>>
      tpu.wait_indirect_dma semaphore(%arg28 : memref<!tpu.dma_semaphore, #tpu.memory_space<semaphore_mem>>) src(%dma_wait3A_480 : memref<10000x128xbf16, #tpu.memory_space<hbm>>) dst(%arg17 : memref<40x128xbf16, #tpu.memory_space<vmem>>)
      %dma_start3A_481 = arith.constant 0 : i32
      %dma_start3A_482 = tpu.memref_slice %arg7[%add3A_474, %dma_start3A_481] : memref<250x40xi32, #tpu.memory_space<vmem>> -> memref<1x40xi32, #tpu.memory_space<vmem>>
      %dma_start3A_483 = tpu.memref_squeeze %dma_start3A_482 : memref<1x40xi32, #tpu.memory_space<vmem>> -> memref<40xi32, #tpu.memory_space<vmem>>
      %dma_start3A_484 = arith.constant 0 : i32
      %dma_start3A_485 = arith.constant 0 : i32
      %dma_start3A_486 = tpu.memref_slice %arg18[%dma_start3A_484, %dma_start3A_485] : memref<10240x128xbf16, #tpu.memory_space<vmem_shared>> -> memref<10240x128xbf16, #tpu.memory_space<vmem_shared>>
      tpu.enqueue_indirect_dma source(%arg17 : memref<40x128xbf16, #tpu.memory_space<vmem>>) target(%dma_start3A_486 : memref<10240x128xbf16, #tpu.memory_space<vmem_shared>>) offsets(%dma_start3A_483 : memref<40xi32, #tpu.memory_space<vmem>>) semaphore(%arg38 : memref<!tpu.dma_semaphore, #tpu.memory_space<semaphore_mem>>) {add = true}
      %ge3A_487 = arith.constant 1 : i32
      %ge3A_488 = arith.cmpi sge, %add3A_474, %ge3A_487 : i32
      %add3A_489 = arith.constant 10 : i32
      %add3A_490 = arith.addi %add3A_474, %add3A_489 : i32
      %sub3A_491 = arith.constant 1 : i32
      %sub3A_492 = arith.subi %add3A_490, %sub3A_491 : i32
      %lt3A_493 = arith.constant 250 : i32
      %lt3A_494 = arith.cmpi slt, %sub3A_492, %lt3A_493 : i32
      %and3A_495 = arith.andi %ge3A_488, %lt3A_494 : i1
      %convert_element_type3A_496 = arith.extui %and3A_495 : i1 to i32
      %cond3A_497 = arith.constant 0 : i32
      %cond3A_498 = arith.cmpi ne, %convert_element_type3A_496, %cond3A_497 : i32
      scf.if %cond3A_498 {
        %sub3A_511 = arith.constant 1 : i32
        %sub3A_512 = arith.subi %add3A_474, %sub3A_511 : i32
        %dma_wait3A_513 = arith.constant 0 : i32
        %dma_wait3A_514 = tpu.memref_slice %arg7[%sub3A_512, %dma_wait3A_513] : memref<250x40xi32, #tpu.memory_space<vmem>> -> memref<1x40xi32, #tpu.memory_space<vmem>>
        %dma_wait3A_515 = tpu.memref_squeeze %dma_wait3A_514 : memref<1x40xi32, #tpu.memory_space<vmem>> -> memref<40xi32, #tpu.memory_space<vmem>>
        %dma_wait3A_516 = arith.constant 0 : i32
        %dma_wait3A_517 = arith.constant 0 : i32
        %dma_wait3A_518 = tpu.memref_slice %arg18[%dma_wait3A_516, %dma_wait3A_517] : memref<10240x128xbf16, #tpu.memory_space<vmem_shared>> -> memref<10240x128xbf16, #tpu.memory_space<vmem_shared>>
        tpu.wait_indirect_dma semaphore(%arg37 : memref<!tpu.dma_semaphore, #tpu.memory_space<semaphore_mem>>) src(%arg16 : memref<40x128xbf16, #tpu.memory_space<vmem>>) dst(%dma_wait3A_518 : memref<10240x128xbf16, #tpu.memory_space<vmem_shared>>)
        %add3A_519 = arith.constant 10 : i32
        %add3A_520 = arith.addi %add3A_474, %add3A_519 : i32
        %sub3A_521 = arith.constant 1 : i32
        %sub3A_522 = arith.subi %add3A_520, %sub3A_521 : i32
        %dma_start3A_523 = arith.constant 0 : i32
        %dma_start3A_524 = tpu.memref_slice %arg6[%sub3A_522, %dma_start3A_523] : memref<250x40xi32, #tpu.memory_space<vmem>> -> memref<1x40xi32, #tpu.memory_space<vmem>>
        %dma_start3A_525 = tpu.memref_squeeze %dma_start3A_524 : memref<1x40xi32, #tpu.memory_space<vmem>> -> memref<40xi32, #tpu.memory_space<vmem>>
        %dma_start3A_526 = arith.constant 0 : i32
        %dma_start3A_527 = arith.constant 0 : i32
        %dma_start3A_528 = tpu.memref_slice %arg2[%dma_start3A_526, %dma_start3A_527] : memref<10000x128xbf16, #tpu.memory_space<hbm>> -> memref<10000x128xbf16, #tpu.memory_space<hbm>>
        tpu.enqueue_indirect_dma source(%dma_start3A_528 : memref<10000x128xbf16, #tpu.memory_space<hbm>>) target(%arg16 : memref<40x128xbf16, #tpu.memory_space<vmem>>) offsets(%dma_start3A_525 : memref<40xi32, #tpu.memory_space<vmem>>) semaphore(%arg27 : memref<!tpu.dma_semaphore, #tpu.memory_space<semaphore_mem>>)
      } else {
      }
      %ge3A_499 = arith.constant 1 : i32
      %ge3A_500 = arith.cmpi sge, %add3A_474, %ge3A_499 : i32
      %add3A_501 = arith.constant 10 : i32
      %add3A_502 = arith.addi %add3A_474, %add3A_501 : i32
      %sub3A_503 = arith.constant 1 : i32
      %sub3A_504 = arith.subi %add3A_502, %sub3A_503 : i32
      %ge3A_505 = arith.constant 250 : i32
      %ge3A_506 = arith.cmpi sge, %sub3A_504, %ge3A_505 : i32
      %and3A_507 = arith.andi %ge3A_500, %ge3A_506 : i1
      %convert_element_type3A_508 = arith.extui %and3A_507 : i1 to i32
      %cond3A_509 = arith.constant 0 : i32
      %cond3A_510 = arith.cmpi ne, %convert_element_type3A_508, %cond3A_509 : i32
      scf.if %cond3A_510 {
        %sub3A_511 = arith.constant 1 : i32
        %sub3A_512 = arith.subi %add3A_474, %sub3A_511 : i32
        %dma_wait3A_513 = arith.constant 0 : i32
        %dma_wait3A_514 = tpu.memref_slice %arg7[%sub3A_512, %dma_wait3A_513] : memref<250x40xi32, #tpu.memory_space<vmem>> -> memref<1x40xi32, #tpu.memory_space<vmem>>
        %dma_wait3A_515 = tpu.memref_squeeze %dma_wait3A_514 : memref<1x40xi32, #tpu.memory_space<vmem>> -> memref<40xi32, #tpu.memory_space<vmem>>
        %dma_wait3A_516 = arith.constant 0 : i32
        %dma_wait3A_517 = arith.constant 0 : i32
        %dma_wait3A_518 = tpu.memref_slice %arg18[%dma_wait3A_516, %dma_wait3A_517] : memref<10240x128xbf16, #tpu.memory_space<vmem_shared>> -> memref<10240x128xbf16, #tpu.memory_space<vmem_shared>>
        tpu.wait_indirect_dma semaphore(%arg37 : memref<!tpu.dma_semaphore, #tpu.memory_space<semaphore_mem>>) src(%arg16 : memref<40x128xbf16, #tpu.memory_space<vmem>>) dst(%dma_wait3A_518 : memref<10240x128xbf16, #tpu.memory_space<vmem_shared>>)
      } else {
      }
    }
    %scan3A_115 = arith.constant 25 : i32
    %dma_wait3A = arith.constant 249 : i32
    %dma_wait3A_116 = arith.constant 0 : i32
    %dma_wait3A_117 = tpu.memref_slice %arg7[%dma_wait3A, %dma_wait3A_116] : memref<250x40xi32, #tpu.memory_space<vmem>> -> memref<1x40xi32, #tpu.memory_space<vmem>>
    %dma_wait3A_118 = tpu.memref_squeeze %dma_wait3A_117 : memref<1x40xi32, #tpu.memory_space<vmem>> -> memref<40xi32, #tpu.memory_space<vmem>>
    %dma_wait3A_119 = arith.constant 0 : i32
    %dma_wait3A_120 = arith.constant 0 : i32
    %dma_wait3A_121 = tpu.memref_slice %arg18[%dma_wait3A_119, %dma_wait3A_120] : memref<10240x128xbf16, #tpu.memory_space<vmem_shared>> -> memref<10240x128xbf16, #tpu.memory_space<vmem_shared>>
    tpu.wait_indirect_dma semaphore(%arg38 : memref<!tpu.dma_semaphore, #tpu.memory_space<semaphore_mem>>) src(%arg17 : memref<40x128xbf16, #tpu.memory_space<vmem>>) dst(%dma_wait3A_121 : memref<10240x128xbf16, #tpu.memory_space<vmem_shared>>)
    %barrier3A_122 = arith.constant 0 : index
    tpu.barrier barrier_id(%barrier3A_122)
    %eq3A = arith.constant 0 : i32
    %eq3A_123 = arith.cmpi eq, %arg0, %eq3A : i32
    %convert_element_type3A = arith.extui %eq3A_123 : i1 to i32
    %cond3A = arith.constant 0 : i32
    %cond3A_124 = arith.cmpi ne, %convert_element_type3A, %cond3A : i32
    scf.if %cond3A_124 {
      "tpu.region"() ({
        %run_scoped3A_130 = tpu.sem_alloc : memref<!tpu.dma_semaphore, #tpu.memory_space<semaphore_mem>>
        %dma_start3A_131 = arith.constant 0 : i32
        %dma_start3A_132 = tpu.memref_slice %arg4[%mul3A_2, %dma_start3A_131] : memref<10240x128xbf16, #tpu.memory_space<hbm>> -> memref<640x128xbf16, #tpu.memory_space<hbm>>
        %dma_start3A_133 = arith.constant 0 : i32
        %dma_start3A_134 = tpu.memref_slice %arg18[%mul3A_2, %dma_start3A_133] : memref<10240x128xbf16, #tpu.memory_space<vmem_shared>> -> memref<640x128xbf16, #tpu.memory_space<vmem_shared>>
        tpu.enqueue_dma source(%dma_start3A_134 : memref<640x128xbf16, #tpu.memory_space<vmem_shared>>) target(%dma_start3A_132 : memref<640x128xbf16, #tpu.memory_space<hbm>>) target_semaphore(%run_scoped3A_130 : memref<!tpu.dma_semaphore, #tpu.memory_space<semaphore_mem>>)
        %dma_wait3A_135 = arith.constant 0 : i32
        %dma_wait3A_136 = tpu.memref_slice %arg4[%mul3A_2, %dma_wait3A_135] : memref<10240x128xbf16, #tpu.memory_space<hbm>> -> memref<640x128xbf16, #tpu.memory_space<hbm>>
        %dma_wait3A_137 = arith.constant 0 : i32
        %dma_wait3A_138 = tpu.memref_slice %arg18[%mul3A_2, %dma_wait3A_137] : memref<10240x128xbf16, #tpu.memory_space<vmem_shared>> -> memref<640x128xbf16, #tpu.memory_space<vmem_shared>>
        tpu.wait_dma2 semaphore(%run_scoped3A_130 : memref<!tpu.dma_semaphore, #tpu.memory_space<semaphore_mem>>) src(%dma_wait3A_138 : memref<640x128xbf16, #tpu.memory_space<vmem_shared>>) dst(%dma_wait3A_136 : memref<640x128xbf16, #tpu.memory_space<hbm>>)
        tpu.yield
      }) : () -> ()
    } else {
    }
    %eq3A_125 = arith.constant 1 : i32
    %eq3A_126 = arith.cmpi eq, %arg0, %eq3A_125 : i32
    %convert_element_type3A_127 = arith.extui %eq3A_126 : i1 to i32
    %cond3A_128 = arith.constant 0 : i32
    %cond3A_129 = arith.cmpi ne, %convert_element_type3A_127, %cond3A_128 : i32
    scf.if %cond3A_129 {
      "tpu.region"() ({
        %run_scoped3A_130 = tpu.sem_alloc : memref<!tpu.dma_semaphore, #tpu.memory_space<semaphore_mem>>
        %dma_start3A_131 = arith.constant 0 : i32
        %dma_start3A_132 = tpu.memref_slice %arg5[%mul3A_2, %dma_start3A_131] : memref<10240x128xbf16, #tpu.memory_space<hbm>> -> memref<640x128xbf16, #tpu.memory_space<hbm>>
        %dma_start3A_133 = arith.constant 0 : i32
        %dma_start3A_134 = tpu.memref_slice %arg18[%mul3A_2, %dma_start3A_133] : memref<10240x128xbf16, #tpu.memory_space<vmem_shared>> -> memref<640x128xbf16, #tpu.memory_space<vmem_shared>>
        tpu.enqueue_dma source(%dma_start3A_134 : memref<640x128xbf16, #tpu.memory_space<vmem_shared>>) target(%dma_start3A_132 : memref<640x128xbf16, #tpu.memory_space<hbm>>) target_semaphore(%run_scoped3A_130 : memref<!tpu.dma_semaphore, #tpu.memory_space<semaphore_mem>>)
        %dma_wait3A_135 = arith.constant 0 : i32
        %dma_wait3A_136 = tpu.memref_slice %arg5[%mul3A_2, %dma_wait3A_135] : memref<10240x128xbf16, #tpu.memory_space<hbm>> -> memref<640x128xbf16, #tpu.memory_space<hbm>>
        %dma_wait3A_137 = arith.constant 0 : i32
        %dma_wait3A_138 = tpu.memref_slice %arg18[%mul3A_2, %dma_wait3A_137] : memref<10240x128xbf16, #tpu.memory_space<vmem_shared>> -> memref<640x128xbf16, #tpu.memory_space<vmem_shared>>
        tpu.wait_dma2 semaphore(%run_scoped3A_130 : memref<!tpu.dma_semaphore, #tpu.memory_space<semaphore_mem>>) src(%dma_wait3A_138 : memref<640x128xbf16, #tpu.memory_space<vmem_shared>>) dst(%dma_wait3A_136 : memref<640x128xbf16, #tpu.memory_space<hbm>>)
        tpu.yield
      }) : () -> ()
    } else {
    }
    return
  }
}

module attributes {stable_mosaic.version = 14 : i64} {
  func.func @_combine_body(%arg0: i32, %arg1: memref<128000xbf16, #tpu.memory_space<vmem>>, %arg2: memref<128000xbf16, #tpu.memory_space<vmem>>, %arg3: memref<1000x128xf32, #tpu.memory_space<vmem>>) attributes {dimension_semantics = [#tpu.dimension_semantics<arbitrary>], iteration_bounds = array<i64: 10>, scalar_prefetch = 0 : i64, scratch_operands = 0 : i64, tpu.core_type = #tpu.core_type<tc>, window_params = [{transform_indices = @transform_0, window_bounds = array<i64: 128000>}, {transform_indices = @transform_1, window_bounds = array<i64: 128000>}, {transform_indices = @transform_2, window_bounds = array<i64: 1000, 128>}]} {
    %get3A = arith.constant 0 : index
    %get3A_0 = vector.load %arg1[%get3A] : memref<128000xbf16, #tpu.memory_space<vmem>>, vector<128000xbf16>
    %reshape3A = vector.shape_cast %get3A_0 : vector<128000xbf16> to vector<1000x128xbf16>
    %convert_element_type3A = arith.extf %reshape3A : vector<1000x128xbf16> to vector<1000x128xf32>
    %get3A_1 = arith.constant 0 : index
    %get3A_2 = vector.load %arg2[%get3A_1] : memref<128000xbf16, #tpu.memory_space<vmem>>, vector<128000xbf16>
    %reshape3A_3 = vector.shape_cast %get3A_2 : vector<128000xbf16> to vector<1000x128xbf16>
    %convert_element_type3A_4 = arith.extf %reshape3A_3 : vector<1000x128xbf16> to vector<1000x128xf32>
    %add3A = arith.addf %convert_element_type3A, %convert_element_type3A_4 : vector<1000x128xf32>
    %swap3A = arith.constant 0 : index
    %swap3A_5 = arith.constant 0 : index
    %swap3A_6 = vector.load %arg3[%swap3A, %swap3A_5] : memref<1000x128xf32, #tpu.memory_space<vmem>>, vector<1000x128xf32>
    tpu.vector_store %arg3[%swap3A, %swap3A_5], %add3A {strides = array<i32>} : memref<1000x128xf32, #tpu.memory_space<vmem>>, vector<1000x128xf32>,
    return
  }
  func.func @transform_0(%arg0: i32) -> i32 {
    %c0_i32 = arith.constant 0 : i32
    return %arg0 : i32
  }
  func.func @transform_1(%arg0: i32) -> i32 {
    %c0_i32 = arith.constant 0 : i32
    return %arg0 : i32
  }
  func.func @transform_2(%arg0: i32) -> (i32, i32) {
    %c0_i32 = arith.constant 0 : i32
    %c0_i32_0 = arith.constant 0 : i32
    return %arg0, %c0_i32 : i32, i32
  }
}

</mosaic_0001>

<sc_bundles>
// kernel: kernel.4.cloned.1.call-start
scs
__scs_entry_jumppad:
0x0: {  	(pc) =	sbr.rel $0x88, $3  }
0x1: {  	(tag) =	ssettag $0x0;
	lr =	simm.s32 $0x1  }
0x2: {  	[smem:$0x3F9F] =	sst lr;
	_ =	strace $0xD0000000  }
0x3: {  	_ = 	snop  }
0x4: {  	_ = 	snop  }
0x5: {  	_ = 	snop  }
0x6: {  	_ = 	snop  }
0x7: {  	_ = 	snop  }
__scs_overlays_trampoline_lowered:
0x8: {  	[smem:$0x3FAE] =	sst s0  }
0x9: {  	[smem:$0x3FAF] =	sst s1  }
0xa: {  	[smem:$0x3FB0] =	sst s2  }
0xb: {  	[smem:$0x3FB1] =	sst s3  }
0xc: {  	[smem:$0x3FB2] =	sst s4  }
0xd: {  	[smem:$0x3FB3] =	sst s5  }
0xe: {  	[smem:$0x3FB4] =	sst s6  }
0xf: {  	[smem:$0x3FB5] =	sst s7  }
0x10: {  	[smem:$0x3FB6] =	sst s8  }
0x11: {  	[smem:$0x3FB7] =	sst s9;
	s0 =	simm.s32 @!p0 $0x0  }
0x12: {  	s1 =	sld [smem:$0x3F9D];
	s0 =	simm.s32 @p0 $0x1  }
0x13: {  	[smem:$0x3FB8] =	sst s0;
	s0 =	simm.s32 @!p1 $0x0  }
0x14: {  	s2 =	sld [smem:$0x3F9C];
	s0 =	simm.s32 @p1 $0x1  }
0x15: {  	[smem:$0x3FB9] =	sst s0;
	s0 =	simm.s32 @!p2 $0x0  }
0x16: {  	s3 =	sld [smem:$0x3FDB];
	s0 =	simm.s32 @p2 $0x1  }
0x17: {  	s4 =	simm.s32 $0x1BF5;
	[smem:$0x3FBB] =	sst s0  }
0x18: {  	s0 =	sld [smem:$0x3F9E];
	_ =	swait.ge [sflag:s4], $0x0  }
0x19: {  	s7 =	sld [smem:$0x3F9F]  }
0x1a: {  	s8 =	sadd.s32 $0xFFFFE003, lr  }
0x1b: {  	s9 =	sadd.s32 $0xFFFFFEF7, lr;
	s5 =	simm.s32 $0xFFFFFFFF;
	p2 =	slt.u32 s8, $0xFFFFF086  }
0x1c: {  	p1 =	slt.u32 s9, $0xF7A;
	s5 =	simm.s32 @!p2 $0x0  }
0x1d: {  	s5 =	simm.s32 @p1 $0x1;
	p0 =	seq.s32 s7, s2  }
0x1e: {  	s7 =	smul.u32 @!p0 $0xF7A, s2;
	p2 =	seq.s32 @!p0 s5, $0x0  }
0x1f: {  	s9 =	smul.u32 $0xF7A, s1;
	s8 =	simm.s32 @!p0 $0x1BF5;
	p2 =	por !p2, p0  }
0x20: {  	[sflag:s8] =	ssyncset.s32 @!p0 $0xFFFFF086;
	s6 =	sadd.s32 @!p0 s3, s7;
	s7 =	simm.s32 @!p0 $0x108  }
0x21: {  	s3 =	sadd.s32 s3, s9;
	s6 =	sadd.s32 @!p0 $0x88, s6;
	s7 =	simm.s32 @p2 $0x1082  }
0x22: {  	[simem:s7], [sflag:s8] =	dma.local @!p0 [hbm:s6], $0xF7A  }
0x23: {  	s9 =	sor.u32 $0xD0000000, s2;
	s6 =	simm.s32 $0x108;
	_ =	swait.ge @!p0 [sflag:s8], $0x0  }
0x24: {  	s3 =	sadd.s32 $0x88, s3;
	s6 =	simm.s32 @!p1 $0x1082;
	[sflag:s4] =	ssyncset.s32 $0xFFFFF086  }
0x25: {  	[simem:s6], [sflag:s4] =	dma.local [hbm:s3], $0xF7A  }
0x26: {  	[smem:$0x3F9F] =	sst s1;
	(tag) =	ssettag s2;
	_ =	strace s9  }
0x27: {  	s1 =	sld [smem:$0x3FAF]  }
0x28: {  	s2 =	sld [smem:$0x3FB0]  }
0x29: {  	s4 =	sld [smem:$0x3FB2]  }
0x2a: {  	p0 =	seq.s32 s5, $0x0;
	s5 =	sld [smem:$0x3FB3]  }
0x2b: {  	s6 =	sld [smem:$0x3FB4]  }
0x2c: {  	s7 =	sld [smem:$0x3FB5]  }
0x2d: {  	s3 =	simm.s32 $0x108;
	s8 =	sld [smem:$0x3FB6]  }
0x2e: {  	s3 =	simm.s32 @!p0 $0x1082;
	s9 =	sld [smem:$0x3FB7]  }
0x2f: {  	lr =	sadd.s32 s0, s3;
	s0 =	sld [smem:$0x3FAE]  }
0x30: {  	s3 =	sld [smem:$0x3FB1]  }
0x31: {  	[smem:$0x3FBA] =	sst s10  }
0x32: {  	s10 =	sld [smem:$0x3FB8];
	_ =	sdelay $0x3  }
0x33: {  	p0 =	seq.s32 s10, $0x1;
	s10 =	sld [smem:$0x3FBA];
	_ =	sdelay $0x3  }
0x34: {  	[smem:$0x3FBA] =	sst s10  }
0x35: {  	s10 =	sld [smem:$0x3FB9];
	_ =	sdelay $0x3  }
0x36: {  	p1 =	seq.s32 s10, $0x1;
	s10 =	sld [smem:$0x3FBA];
	_ =	sdelay $0x3  }
0x37: {  	[smem:$0x3FBA] =	sst s10  }
0x38: {  	s10 =	sld [smem:$0x3FBB]  }
0x39: {  	_ = 	snop;
	(pc) =	sbr.ind lr, $3  }
0x3a: {  	_ = 	snop  }
0x3b: {  	_ = 	snop  }
0x3c: {  	p2 =	seq.s32 s10, $0x1;
	s10 =	sld [smem:$0x3FBA]  }
0x3d: {  	_ =	shalt  }
0x3e: {  	_ =	shalt  }
0x3f: {  	_ =	shalt  }
0x40: {  	_ =	shalt  }
0x41: {  	_ =	shalt  }
0x42: {  	_ =	shalt  }
0x43: {  	_ =	shalt  }
0x44: {  	_ =	shalt  }
0x45: {  	_ =	shalt  }
0x46: {  	_ =	shalt  }
0x47: {  	_ =	shalt  }
0x48: {  	_ =	shalt  }
0x49: {  	_ =	shalt  }
0x4a: {  	_ =	shalt  }
0x4b: {  	_ =	shalt  }
0x4c: {  	_ =	shalt  }
0x4d: {  	_ =	shalt  }
0x4e: {  	_ =	shalt  }
0x4f: {  	_ =	shalt  }
0x50: {  	_ =	shalt  }
0x51: {  	_ =	shalt  }
0x52: {  	_ =	shalt  }
0x53: {  	_ =	shalt  }
0x54: {  	_ =	shalt  }
0x55: {  	_ =	shalt  }
0x56: {  	_ =	shalt  }
0x57: {  	_ =	shalt  }
0x58: {  	_ =	shalt  }
0x59: {  	_ =	shalt  }
0x5a: {  	_ =	shalt  }
0x5b: {  	_ =	shalt  }
0x5c: {  	_ =	shalt  }
0x5d: {  	_ =	shalt  }
0x5e: {  	_ =	shalt  }
0x5f: {  	_ =	shalt  }
0x60: {  	_ =	shalt  }
0x61: {  	_ =	shalt  }
0x62: {  	_ =	shalt  }
0x63: {  	_ =	shalt  }
0x64: {  	_ =	shalt  }
0x65: {  	_ =	shalt  }
0x66: {  	_ =	shalt  }
0x67: {  	_ =	shalt  }
0x68: {  	_ =	shalt  }
0x69: {  	_ =	shalt  }
0x6a: {  	_ =	shalt  }
0x6b: {  	_ =	shalt  }
0x6c: {  	_ =	shalt  }
0x6d: {  	_ =	shalt  }
0x6e: {  	_ =	shalt  }
0x6f: {  	_ =	shalt  }
0x70: {  	_ =	shalt  }
0x71: {  	_ =	shalt  }
0x72: {  	_ =	shalt  }
0x73: {  	_ =	shalt  }
0x74: {  	_ =	shalt  }
0x75: {  	_ =	shalt  }
0x76: {  	_ =	shalt  }
0x77: {  	_ =	shalt  }
0x78: {  	_ =	shalt  }
0x79: {  	_ =	shalt  }
0x7a: {  	_ =	shalt  }
0x7b: {  	_ =	shalt  }
0x7c: {  	_ =	shalt  }
0x7d: {  	_ =	shalt  }
0x7e: {  	_ =	shalt  }
0x7f: {  	_ =	shalt  }
0x80: {  	_ =	shalt  }
0x81: {  	_ =	shalt  }
0x82: {  	_ =	shalt  }
0x83: {  	_ =	shalt  }
0x84: {  	_ =	shalt  }
0x85: {  	_ =	shalt  }
0x86: {  	_ =	shalt  }
0x87: {  	_ =	shalt  }
.Lfunc_end0:
.L_simem_size_0:
called_computation_lowered:
.L_overlay_start_0:
0x88: {  	s2 =	sld [smem:$0x3FD9]  }
0x89: {  	s3 =	sld [smem:$0x3FFE];
	_ =	sdelay $0x1  }
0x8a: {  	s1 =	srdreg.scid  }
0x8b: {  	s0 =	sand.u32 $0x1, s1  }
0x8c: {  	s17 =	sshll.u32 s0, $0xA;
	s2 =	sadd.s32 s3, s2  }
0x8d: {  	s2 =	sadd.s32 s2, s17  }
0x8e: {  	[smem:$0x3FC6] =	sst s2  }
0x8f: {  	_ = 	snop  }
0x90: {  	s2 =	sld [smem:$0x3FD0];
	(tm) =	ssettm $0x1  }
0x91: {  	s18 =	sld [smem:$0x3FFB];
	_ =	sdelay $0x3  }
0x92: {  	_ =	strace s18  }
0x93: {  	s3 =	sld [smem:$0x3FFC];
	_ =	sdelay $0x3  }
0x94: {  	_ =	strace s3  }
0x95: {  	s3 =	sld [smem:$0x3FFD];
	_ =	sdelay $0x3  }
0x96: {  	_ =	strace s3  }
0x97: {  	_ =	strace $0x8FFFFFFF  }
0x98: {  	s19 =	sld [smem:$0x3FDB];
	_ =	sdelay $0x1  }
0x99: {  	s4 =	simm.s32 $_scs_section_size  }
0x9a: {  	s5 =	simm.s32 $_size__tile_overlayer_lowered;
	s6 =	simm.s32 $_tile_overlayer_lowered  }
0x9b: {  	s22 =	simm.s32 $0x1BFF;
	s21 =	sshll.u32 s6, $0x1;
	s3 =	sadd.s32 s4, s19  }
0x9c: {  	s7 =	simm.s32 $0x0;
	s20 =	sshll.u32 s5, $0x1;
	s5 =	sadd.s32 s21, s3  }
0x9d: {  	[timem:s7], [sflag:s22] =	dma.local [hbm:s5], s20  }
0x9e: {  	_ =	swait.ge [sflag:s22], s20  }
0x9f: {  	s4 =	ssub.s32 $0x0, s20;
	[sflag:s22] =	ssyncset.done $0x0  }
0xa0: {  	[sflag:s22] =	ssyncadd.s32 s4;
	_ =	sdelay $0x1  }
0xa1: {  	s23 =	simm.s32 $0x1B8B  }
0xa2: {  	_ =	swait.ge [sflag:s23], $0x1  }
0xa3: {  	[sflag:s23] =	ssyncset.done $0x0  }
0xa4: {  	s25 =	simm.s32 $0x1B8E;
	s24 =	sld [smem:$0x3FFE];
	[sflag:s23] =	ssyncadd.s32 $0xFFFFFFFF  }
0xa5: {  	s26 =	simm.s32 $execute0_lowered;
	[smem:$0x3FD2] =	sst s25  }
0xa6: {  	s5 =	sshll.u32 s26, $0x1;
	_ =	strace $0x80000046;
	[dreg:$0x1] =	wrdreg $0xFFFFFFFF  }
0xa7: {  	s28 =	simm.s32 $_size_execute0_lowered;
	s3 =	sadd.s32 s3, s5;
	[dreg:$0x0] =	wrdreg $0x0  }
0xa8: {  	s5 =	sshll.u32 s28, $0x1;
	[dreg:$0x2] =	wrdreg s3  }
0xa9: {  	[dreg:$0x3] =	wrdreg s5  }
0xaa: {  	[dreg:$0x4] =	wrdreg $0xC0  }
0xab: {  	_ =	task [dreg:s7], $0x5FFFF  }
0xac: {  	[dreg:$0x1] =	wrdreg $0xFFFFFFFF  }
0xad: {  	[dreg:$0x0] =	wrdreg $0x60  }
0xae: {  	[dreg:$0x2] =	wrdreg s24  }
0xaf: {  	[dreg:$0x3] =	wrdreg s2  }
0xb0: {  	[dreg:$0x4] =	wrdreg $0xB2200  }
0xb1: {  	[dreg:$0x5] =	wrdreg $0x9  }
0xb2: {  	_ =	task.clear_ibuf [dreg:s7], $0x6FFFF;
	_ =	strace $0x90000046  }
0xb3: {  	s29 =	simm.s32 $0x9;
	_ =	strace $0x80000048  }
0xb4: {  	_ =	swait.ge [sflag:s29], $0x1  }
0xb5: {  	[sflag:s29] =	ssyncadd.s32 $0xFFFFFFFF  }
0xb6: {  	_ =	strace $0x90000048  }
0xb7: {  	_ =	sfence  }
0xb8: {  	s30 =	sld [smem:$0x0];
	_ =	sdelay $0x2  }
0xb9: {  	s31 =	sshll.u32 s1, $0xD;
	s1 =	sshrl.u32 s1, $0x2  }
0xba: {  	s3 =	sand.u32 $0x4000, s31;
	s1 =	sadd.s32 s1, s30  }
0xbb: {  	s0 =	sor.u32 s3, s0;
	s1 =	sshll.u32 s1, $0x11  }
0xbc: {  	s0 =	sor.u32 s1, s0  }
0xbd: {  	s0 =	sadd.s32 $0x8F2B, s0  }
0xbe: {  	[sflag:s0] =	ssyncadd.remote.s32 $0x1  }
0xbf: {  	_ =	sfence.sel $0xFFFF  }
0xc0: {  	[dreg:$0x0] =	wrdreg $0xFFFFFFFF;
	(pc) =	sbr.abs _section_cstart, $3  }
0xc1: {  	[dreg:$0x1] =	wrdreg $0xFFFFFFFF  }
0xc2: {  	_ =	task.clear_ibuf [dreg:s7], $0x2FFFF;
	_ =	strace $0x9FFFFFFF  }
0xc3: {  	(tm) =	ssettm $0x7FFFFFFF  }
tec
execute0_lowered:
.L_overlay_start_1:
0x0: {  	(tag) =	ssettag $0x1  }
0x1: {  	s9 =	stileid.u32  }
0x2: {  	s7 =	smul.u32 $0x28000, s9  }
0x3: {  	s0 =	rddreg [dreg:$0x0]  }
0x4: {  	s1 =	srdreg.scid;
	s2 =	rddreg [dreg:$0x2];
	s7 =	sshrl.u32 s7, $0x2  }
0x5: {  	s3 =	rddreg [dreg:$0x1];
	s5 =	simm.s32 $0x0;
	s7 =	sadd.s32 s7, s2  }
0x6: {  	s28 =	simm.s32 $0x28;
	[smem:$0x7FF] =	sst s5;
	s12 =	sadd.s32 $0xA00, s7  }
0x7: {  	_ =	strace $0x80000047;
	s13 =	sadd.s32 $0x1400, s7;
	[dreg:$0x7] =	wrdreg s12  }
0x8: {  	s1 =	sand.u32 $0x1, s1;
	s14 =	sadd.s32 $0x1E00, s7;
	[dreg:$0x8] =	wrdreg s13  }
0x9: {  	s4 =	sshll.u32 s1, $0x4;
	s15 =	sadd.s32 $0x2800, s7;
	[dreg:$0x9] =	wrdreg s14  }
0xa: {  	s6 =	ssub.s32 $0x2, s1;
	s16 =	sadd.s32 $0x3200, s7;
	[dreg:$0xa] =	wrdreg s15  }
0xb: {  	p0 =	seq.s32 s1, $0x1;
	s17 =	sadd.s32 $0x3C00, s7;
	[dreg:$0xb] =	wrdreg s16  }
0xc: {  	s4 =	sor.u32 s9, s4;
	s18 =	sadd.s32 $0x4600, s7;
	[dreg:$0xc] =	wrdreg s17  }
0xd: {  	s9 =	smul.u32 $0x14000, s9;
	s19 =	sadd.s32 $0x5000, s7;
	[dreg:$0xd] =	wrdreg s18  }
0xe: {  	s8 =	smul.u32 $0x2710, s4;
	s20 =	sadd.s32 $0x5A00, s7;
	[dreg:$0xe] =	wrdreg s19  }
0xf: {  	s4 =	sadd.s32 $0xC00, s0;
	s21 =	sadd.s32 $0x6400, s7;
	[dreg:$0xf] =	wrdreg s20  }
0x10: {  	s11 =	sshrl.u32 s9, $0x1;
	s22 =	sadd.s32 $0x6E00, s7;
	[dreg:$0x10] =	wrdreg s21  }
0x11: {  	s23 =	sadd.s32 $0x7800, s7;
	s24 =	sadd.s32 $0x8200, s7;
	[dreg:$0x11] =	wrdreg s22  }
0x12: {  	s25 =	sadd.s32 $0x8C00, s7;
	s26 =	sadd.s32 $0x9600, s7;
	[dreg:$0x12] =	wrdreg s23  }
0x13: {  	s30 =	sshrl.u32 s9, $0x4;
	s9 =	simm.s32 $0x1;
	[dreg:$0x13] =	wrdreg s24  }
0x14: {  	s7 =	simm.s32 $0x0;
	s5 =	sshrl.u32 s8, $0x3;
	[dreg:$0x14] =	wrdreg s25  }
0x15: {  	s8 =	sshrl.u32 s6, $0x1;
	s29 =	sadd.s32 s11, s2;
	[dreg:$0x15] =	wrdreg s26  }
0x16: {  	s25 =	simm.s32 $0x15;
	s11 =	simm.s32 $0xB;
	s12 =	simm.s32 $0x3  }
0x17: {  	s13 =	simm.s32 $0x4;
	s14 =	simm.s32 $0xD;
	s15 =	simm.s32 $0x5  }
0x18: {  	s16 =	simm.s32 $0x6;
	s17 =	simm.s32 $0xF;
	s18 =	simm.s32 $0x7  }
0x19: {  	s19 =	simm.s32 $0x8;
	s20 =	simm.s32 $0x11;
	s21 =	simm.s32 $0x9  }
0x1a: {  	s22 =	simm.s32 $0xA;
	s23 =	simm.s32 $0x13;
	s5 =	sadd.s32 s5, s0  }
0x1b: {  	s0 =	sadd.s32 $0x28000, s0;
	[dreg:$0x6] =	wrdreg s29;
	s10 =	sadd.s32 $0x14600, s5  }
0x1c: {  	s6 =	ssub.s32 s6, s8;
	s5 =	sadd.s32 $0x1E240, s5;
	[dreg:$0x4] =	wrdreg s10  }
0x1d: {  	s8 =	simm.s32 $0x4E20;
	s31 =	smax.u32 s6, $0x1;
	[dreg:$0x5] =	wrdreg s5  }
0x1e: {  	s3 =	smov.u32 @p0 s0;
	s6 =	simm.s32 $0xA820;
	[dreg:$0x16] =	wrdreg s31  }
0x1f: {  	s0 =	sadd.s32 s3, s30;
	s3 =	simm.s32 $0x9420;
	s5 =	simm.s32 $0x9E20  }
0x20: {  	v0 =	vimm.bf16 $0.0e+00;
	s10 =	simm.s32 $0x2;
	[dreg:$0x17] =	wrdreg s0;
	s0 =	simm.s32 $0x8A20  }
.LBB2_1:
0x21: {  	[dreg:$0x18] =	wrdreg s7  }
0x22: {  	s1 =	simm.s32 $0x0;
	s30 =	rddreg [dreg:$0x4]  }
0x23: {  	[tilespmem:s1], [sflag:$0x15] =	stream.linear.gather [hbm4b:s30+s1], $0x2710, $0x38;
	[tilespmem:$0x15220] =	vst v63  }
0x24: {  	_ =	swait.ge [sflag:s25], $0x2710  }
0x25: {  	[sflag:s25] =	ssyncset.done $0x0  }
0x26: {  	s24 =	simm.s32 $0x2710;
	s31 =	rddreg [dreg:$0x5];
	[sflag:s25] =	ssyncadd.s32 $0xFFFFD8F0  }
0x27: {  	[tilespmem:s24], [sflag:$0x15] =	stream.linear.gather [hbm4b:s31+s1], $0x2710, $0x38;
	[tilespmem:$0x15220] =	vst v63  }
0x28: {  	_ =	swait.ge [sflag:s25], $0x2710  }
0x29: {  	[sflag:s25] =	ssyncset.done $0x0  }
0x2a: {  	s7 =	simm.s32 $0x5820;
	[sflag:s25] =	ssyncadd.s32 $0xFFFFD8F0  }
0x2b: {  	[tilespmem:s7], [sflag:$0x2] =	stream.indirect.gather [hbm4b:s4+s28], $0x40, s28, s28, $0xb8;
	[tilespmem:$0x15220] =	vst v63  }
0x2c: {  	s26 =	simm.s32 $0x6220;
	s24 =	simm.s32 $0x50  }
0x2d: {  	[tilespmem:s26], [sflag:$0x3] =	stream.indirect.gather [hbm4b:s4+s28], $0x40, s24, s28, $0xb8;
	[tilespmem:$0x15220] =	vst v63  }
0x2e: {  	s30 =	simm.s32 $0x78;
	s31 =	simm.s32 $0x6C20  }
0x2f: {  	[tilespmem:s31], [sflag:$0x4] =	stream.indirect.gather [hbm4b:s4+s28], $0x40, s30, s28, $0xb8;
	[tilespmem:$0x15220] =	vst v63  }
0x30: {  	s24 =	simm.s32 $0xA0;
	s26 =	simm.s32 $0x7620  }
0x31: {  	[tilespmem:s26], [sflag:$0x5] =	stream.indirect.gather [hbm4b:s4+s28], $0x40, s24, s28, $0xb8;
	[tilespmem:$0x15220] =	vst v63  }
0x32: {  	s30 =	simm.s32 $0xC8;
	s31 =	simm.s32 $0x8020  }
0x33: {  	[tilespmem:s31], [sflag:$0x6] =	stream.indirect.gather [hbm4b:s4+s28], $0x40, s30, s28, $0xb8;
	[tilespmem:$0x15220] =	vst v63  }
0x34: {  	s24 =	simm.s32 $0xF0  }
0x35: {  	[tilespmem:s0], [sflag:$0x7] =	stream.indirect.gather [hbm4b:s4+s28], $0x40, s24, s28, $0xb8;
	[tilespmem:$0x15220] =	vst v63  }
0x36: {  	s26 =	simm.s32 $0x118  }
0x37: {  	[tilespmem:s3], [sflag:$0x8] =	stream.indirect.gather [hbm4b:s4+s28], $0x40, s26, s28, $0xb8;
	[tilespmem:$0x15220] =	vst v63  }
0x38: {  	s30 =	simm.s32 $0x140  }
0x39: {  	[tilespmem:s5], [sflag:$0x9] =	stream.indirect.gather [hbm4b:s4+s28], $0x40, s30, s28, $0xb8;
	[tilespmem:$0x15220] =	vst v63  }
0x3a: {  	s7 =	simm.s32 $0x0;
	s31 =	simm.s32 $0x168;
	s24 =	simm.s32 $0x100  }
0x3b: {  	[tilespmem:s6], [sflag:$0xA] =	stream.indirect.gather [hbm4b:s4+s28], $0x40, s31, s28, $0xb8;
	[tilespmem:$0x15220] =	vst v63  }
.LBB2_2:
0x3c: {  	p0 =	sne.s32 s24, $0x2700;
	[tilespmem:s7+$0x4E50] =	vst v0;
	s26 =	smov.u32 s24;
	s24 =	sadd.s32 $0x100, s24  }
.Ltmp0:
0x3d: {  	[tilespmem:s7+$0x4E40] =	vst v0;
	(pc) =	sbr.rel @p0 .LBB2_2-.Ltmp0, $3  }
0x3e: {  	[tilespmem:s7+$0x4E20] =	vst v0  }
0x3f: {  	[tilespmem:s7+$0x4E30] =	vst v0;
	_ =	sdelay $0x1  }
0x40: {  	s7 =	sshra.s32 s26, $0x2  }
0x41: {  	[tilespmem:s7+$0x4E50] =	vst v0  }
0x42: {  	[tilespmem:s7+$0x4E40] =	vst v0  }
0x43: {  	[tilespmem:s7+$0x4E20] =	vst v0  }
0x44: {  	[tilespmem:s7+$0x4E30] =	vst v0  }
0x45: {  	[spmem:s29] =	stream.linear.scatter [tilespmem:s8], [sflag:$0x15], $0xA00, $0x38;
	[tilespmem:$0x15220] =	vst v63  }
0x46: {  	_ =	swait.ge [sflag:s25], $0xA00  }
0x47: {  	[sflag:s25] =	ssyncset.done $0x0  }
0x48: {  	s1 =	rddreg [dreg:$0x7];
	[sflag:s25] =	ssyncadd.s32 $0xFFFFF600  }
0x49: {  	[spmem:s1] =	stream.linear.scatter [tilespmem:s8], [sflag:$0x15], $0xA00, $0x38;
	[tilespmem:$0x15220] =	vst v63  }
0x4a: {  	_ =	swait.ge [sflag:s25], $0xA00  }
0x4b: {  	[sflag:s25] =	ssyncset.done $0x0  }
0x4c: {  	s30 =	rddreg [dreg:$0x8];
	[sflag:s25] =	ssyncadd.s32 $0xFFFFF600  }
0x4d: {  	[spmem:s30] =	stream.linear.scatter [tilespmem:s8], [sflag:$0x15], $0xA00, $0x38;
	[tilespmem:$0x15220] =	vst v63  }
0x4e: {  	_ =	swait.ge [sflag:s25], $0xA00  }
0x4f: {  	[sflag:s25] =	ssyncset.done $0x0  }
0x50: {  	s31 =	rddreg [dreg:$0x9];
	[sflag:s25] =	ssyncadd.s32 $0xFFFFF600  }
0x51: {  	[spmem:s31] =	stream.linear.scatter [tilespmem:s8], [sflag:$0x15], $0xA00, $0x38;
	[tilespmem:$0x15220] =	vst v63  }
0x52: {  	_ =	swait.ge [sflag:s25], $0xA00  }
0x53: {  	[sflag:s25] =	ssyncset.done $0x0  }
0x54: {  	s7 =	rddreg [dreg:$0xa];
	[sflag:s25] =	ssyncadd.s32 $0xFFFFF600  }
0x55: {  	[spmem:s7] =	stream.linear.scatter [tilespmem:s8], [sflag:$0x15], $0xA00, $0x38;
	[tilespmem:$0x15220] =	vst v63  }
0x56: {  	_ =	swait.ge [sflag:s25], $0xA00  }
0x57: {  	[sflag:s25] =	ssyncset.done $0x0  }
0x58: {  	s24 =	rddreg [dreg:$0xb];
	[sflag:s25] =	ssyncadd.s32 $0xFFFFF600  }
0x59: {  	[spmem:s24] =	stream.linear.scatter [tilespmem:s8], [sflag:$0x15], $0xA00, $0x38;
	[tilespmem:$0x15220] =	vst v63  }
0x5a: {  	_ =	swait.ge [sflag:s25], $0xA00  }
0x5b: {  	[sflag:s25] =	ssyncset.done $0x0  }
0x5c: {  	s26 =	rddreg [dreg:$0xc];
	[sflag:s25] =	ssyncadd.s32 $0xFFFFF600  }
0x5d: {  	[spmem:s26] =	stream.linear.scatter [tilespmem:s8], [sflag:$0x15], $0xA00, $0x38;
	[tilespmem:$0x15220] =	vst v63  }
0x5e: {  	_ =	swait.ge [sflag:s25], $0xA00  }
0x5f: {  	[sflag:s25] =	ssyncset.done $0x0  }
0x60: {  	s29 =	rddreg [dreg:$0xd];
	[sflag:s25] =	ssyncadd.s32 $0xFFFFF600  }
0x61: {  	[spmem:s29] =	stream.linear.scatter [tilespmem:s8], [sflag:$0x15], $0xA00, $0x38;
	[tilespmem:$0x15220] =	vst v63  }
0x62: {  	_ =	swait.ge [sflag:s25], $0xA00  }
0x63: {  	[sflag:s25] =	ssyncset.done $0x0  }
0x64: {  	s30 =	rddreg [dreg:$0xe];
	[sflag:s25] =	ssyncadd.s32 $0xFFFFF600  }
0x65: {  	[spmem:s30] =	stream.linear.scatter [tilespmem:s8], [sflag:$0x15], $0xA00, $0x38;
	[tilespmem:$0x15220] =	vst v63  }
0x66: {  	_ =	swait.ge [sflag:s25], $0xA00  }
0x67: {  	[sflag:s25] =	ssyncset.done $0x0  }
0x68: {  	s31 =	rddreg [dreg:$0xf];
	[sflag:s25] =	ssyncadd.s32 $0xFFFFF600  }
0x69: {  	[spmem:s31] =	stream.linear.scatter [tilespmem:s8], [sflag:$0x15], $0xA00, $0x38;
	[tilespmem:$0x15220] =	vst v63  }
0x6a: {  	_ =	swait.ge [sflag:s25], $0xA00  }
0x6b: {  	[sflag:s25] =	ssyncset.done $0x0  }
0x6c: {  	s7 =	rddreg [dreg:$0x10];
	[sflag:s25] =	ssyncadd.s32 $0xFFFFF600  }
0x6d: {  	[spmem:s7] =	stream.linear.scatter [tilespmem:s8], [sflag:$0x15], $0xA00, $0x38;
	[tilespmem:$0x15220] =	vst v63  }
0x6e: {  	_ =	swait.ge [sflag:s25], $0xA00  }
0x6f: {  	[sflag:s25] =	ssyncset.done $0x0  }
0x70: {  	s24 =	rddreg [dreg:$0x11];
	[sflag:s25] =	ssyncadd.s32 $0xFFFFF600  }
0x71: {  	[spmem:s24] =	stream.linear.scatter [tilespmem:s8], [sflag:$0x15], $0xA00, $0x38;
	[tilespmem:$0x15220] =	vst v63  }
0x72: {  	_ =	swait.ge [sflag:s25], $0xA00  }
0x73: {  	[sflag:s25] =	ssyncset.done $0x0  }
0x74: {  	s26 =	rddreg [dreg:$0x12];
	[sflag:s25] =	ssyncadd.s32 $0xFFFFF600  }
0x75: {  	[spmem:s26] =	stream.linear.scatter [tilespmem:s8], [sflag:$0x15], $0xA00, $0x38;
	[tilespmem:$0x15220] =	vst v63  }
0x76: {  	_ =	swait.ge [sflag:s25], $0xA00  }
0x77: {  	[sflag:s25] =	ssyncset.done $0x0  }
0x78: {  	s29 =	rddreg [dreg:$0x13];
	[sflag:s25] =	ssyncadd.s32 $0xFFFFF600  }
0x79: {  	[spmem:s29] =	stream.linear.scatter [tilespmem:s8], [sflag:$0x15], $0xA00, $0x38;
	[tilespmem:$0x15220] =	vst v63  }
0x7a: {  	_ =	swait.ge [sflag:s25], $0xA00  }
0x7b: {  	[sflag:s25] =	ssyncset.done $0x0  }
0x7c: {  	s30 =	rddreg [dreg:$0x14];
	[sflag:s25] =	ssyncadd.s32 $0xFFFFF600  }
0x7d: {  	[spmem:s30] =	stream.linear.scatter [tilespmem:s8], [sflag:$0x15], $0xA00, $0x38;
	[tilespmem:$0x15220] =	vst v63  }
0x7e: {  	_ =	swait.ge [sflag:s25], $0xA00  }
0x7f: {  	[sflag:s25] =	ssyncset.done $0x0  }
0x80: {  	s31 =	rddreg [dreg:$0x15];
	[sflag:s25] =	ssyncadd.s32 $0xFFFFF600  }
0x81: {  	[spmem:s31] =	stream.linear.scatter [tilespmem:s8], [sflag:$0x15], $0xA00, $0x38;
	[tilespmem:$0x15220] =	vst v63  }
0x82: {  	_ =	swait.ge [sflag:s25], $0xA00  }
0x83: {  	[sflag:s25] =	ssyncset.done $0x0  }
0x84: {  	[sflag:s25] =	ssyncadd.s32 $0xFFFFF600  }
0x85: {  	s7 =	simm.s32 $0x0;
	s24 =	simm.s32 $0x0;
	[bflag:$0x0] =	sbarrier.arrive $0xFFFF  }
0x86: {  	[tilespmem:s8], [sflag:$0x1] =	stream.indirect.gather [hbm4b:s4+s28], $0x40, s7, s28, $0xb8;
	[tilespmem:$0x15220] =	vst v63  }
.LBB2_4:
0x87: {  	_ =	swait.ge [sflag:s9], $0xA00  }
0x88: {  	s29 =	sshra.s32 s24, $0x2;
	[sflag:s9] =	ssyncset.done $0x0  }
0x89: {  	p0 =	seq.s32 s24, $0x0;
	s26 =	sadd.s32 $0x2710, s29;
	[sflag:s9] =	ssyncadd.s32 $0xFFFFF600  }
0x8a: {  	[spmem:s2] =	stream.indirect.scatter.add.bf16 [tilespmem:s8], [sflag:$0xB], $0x40, s26, s28, $0xb8;
	[tilespmem:$0x15220] =	vst v63  }
0x8b: {  	s26 =	simm.s32 @!p0 $0x14  }
0x8c: {  	_ =	swait.ge @!p0 [sflag:s26], $0xA00  }
0x8d: {  	[sflag:s26] =	ssyncset.done @!p0 $0x0  }
0x8e: {  	[sflag:s26] =	ssyncadd.s32 @!p0 $0xFFFFF600;
	s26 =	sshra.s32 @!p0 s24, $0x2  }
0x8f: {  	s31 =	simm.s32 @!p0 $0x28;
	s30 =	simm.s32 @!p0 $0xA820;
	s26 =	sadd.s32 @!p0 $0x168, s26  }
0x90: {  	[tilespmem:s30], [sflag:$0xA] =	stream.indirect.gather @!p0 [hbm4b:s4+s31], $0x40, s26, s31, $0xb8;
	[tilespmem:$0x15220] =	vst v63  }
0x91: {  	_ =	swait.ge [sflag:s10], $0xA00  }
0x92: {  	s1 =	simm.s32 $0x5820;
	p0 =	seq.s32 s24, $0x9600;
	[sflag:s10] =	ssyncset.done $0x0  }
0x93: {  	s31 =	sadd.s32 $0x2738, s29;
	s26 =	simm.s32 @!p0 $0xB;
	[sflag:s10] =	ssyncadd.s32 $0xFFFFF600  }
0x94: {  	[spmem:s2] =	stream.indirect.scatter.add.bf16 [tilespmem:s1], [sflag:$0xC], $0x40, s31, s28, $0xb8;
	[tilespmem:$0x15220] =	vst v63  }
0x95: {  	_ =	swait.ge @!p0 [sflag:s26], $0xA00  }
0x96: {  	s31 =	sshra.s32 @!p0 s24, $0x2;
	s1 =	simm.s32 @!p0 $0x4E20;
	[sflag:s26] =	ssyncset.done @!p0 $0x0  }
0x97: {  	s30 =	sadd.s32 @!p0 $0x190, s31;
	[sflag:s26] =	ssyncadd.s32 @!p0 $0xFFFFF600;
	s26 =	simm.s32 @!p0 $0x28  }
0x98: {  	[tilespmem:s1], [sflag:$0x1] =	stream.indirect.gather @!p0 [hbm4b:s4+s26], $0x40, s30, s26, $0xb8;
	[tilespmem:$0x15220] =	vst v63  }
0x99: {  	s1 =	sadd.s32 @!p0 $0xFFFFFF10, s7  }
0x9a: {  	p1 =	sgt.u32 @!p0 s1, $0x7FFFFF05  }
0x9b: {  	p3 =	por p0, !p1  }
0x9c: {  	_ =	swait.ge @p3 [sflag:s11], $0xA00  }
0x9d: {  	[sflag:s11] =	ssyncset.done @p3 $0x0  }
0x9e: {  	[sflag:s11] =	ssyncadd.s32 @p3 $0xFFFFF600  }
0x9f: {  	_ =	swait.ge [sflag:s12], $0xA00  }
0xa0: {  	[sflag:s12] =	ssyncset.done $0x0  }
0xa1: {  	s30 =	simm.s32 $0x6220;
	s1 =	sadd.s32 $0x2760, s29;
	[sflag:s12] =	ssyncadd.s32 $0xFFFFF600  }
0xa2: {  	[spmem:s2] =	stream.indirect.scatter.add.bf16 [tilespmem:s30], [sflag:$0xD], $0x40, s1, s28, $0xb8;
	[tilespmem:$0x15220] =	vst v63  }
0xa3: {  	s1 =	simm.s32 @!p0 $0xC  }
0xa4: {  	p2 =	por @!p0 $0x0, $0x0;
	_ =	swait.ge @!p0 [sflag:s1], $0xA00  }
0xa5: {  	p2 =	por @p3 $0x1, $0x1;
	[sflag:s1] =	ssyncset.done @!p0 $0x0  }
0xa6: {  	s30 =	simm.s32 @!p0 $0x5820;
	[sflag:s1] =	ssyncadd.s32 @!p0 $0xFFFFF600;
	s1 =	sadd.s32 @!p0 $0x1B8, s31  }
0xa7: {  	[tilespmem:s30], [sflag:$0x2] =	stream.indirect.gather @!p0 [hbm4b:s4+s26], $0x40, s1, s26, $0xb8;
	[tilespmem:$0x15220] =	vst v63  }
0xa8: {  	s1 =	simm.s32 @p2 $0xC  }
0xa9: {  	_ =	swait.ge @p2 [sflag:s1], $0xA00  }
0xaa: {  	[sflag:s1] =	ssyncset.done @p2 $0x0  }
0xab: {  	[sflag:s1] =	ssyncadd.s32 @p2 $0xFFFFF600  }
0xac: {  	_ =	swait.ge [sflag:s13], $0xA00  }
0xad: {  	[sflag:s13] =	ssyncset.done $0x0  }
0xae: {  	s30 =	simm.s32 $0x6C20;
	s1 =	sadd.s32 $0x2788, s29;
	[sflag:s13] =	ssyncadd.s32 $0xFFFFF600  }
0xaf: {  	[spmem:s2] =	stream.indirect.scatter.add.bf16 [tilespmem:s30], [sflag:$0xE], $0x40, s1, s28, $0xb8;
	[tilespmem:$0x15220] =	vst v63  }
0xb0: {  	s1 =	simm.s32 @!p0 $0xD  }
0xb1: {  	_ =	swait.ge @!p0 [sflag:s1], $0xA00  }
0xb2: {  	[sflag:s1] =	ssyncset.done @!p0 $0x0  }
0xb3: {  	s30 =	simm.s32 @!p0 $0x6220;
	[sflag:s1] =	ssyncadd.s32 @!p0 $0xFFFFF600;
	s1 =	sadd.s32 @!p0 $0x1E0, s31  }
0xb4: {  	[tilespmem:s30], [sflag:$0x3] =	stream.indirect.gather @!p0 [hbm4b:s4+s26], $0x40, s1, s26, $0xb8;
	[tilespmem:$0x15220] =	vst v63  }
0xb5: {  	s1 =	sadd.s32 @!p0 $0xFFFFFF12, s7  }
0xb6: {  	p2 =	sgt.u32 @!p0 s1, $0x7FFFFF05  }
0xb7: {  	p2 =	por p0, !p2  }
0xb8: {  	_ =	swait.ge @p2 [sflag:s14], $0xA00  }
0xb9: {  	[sflag:s14] =	ssyncset.done @p2 $0x0  }
0xba: {  	[sflag:s14] =	ssyncadd.s32 @p2 $0xFFFFF600  }
0xbb: {  	_ =	swait.ge [sflag:s15], $0xA00  }
0xbc: {  	s26 =	sadd.s32 $0x27B0, s29;
	[sflag:s15] =	ssyncset.done $0x0  }
0xbd: {  	s30 =	simm.s32 $0x7620;
	s1 =	simm.s32 @!p0 $0xE;
	[sflag:s15] =	ssyncadd.s32 $0xFFFFF600  }
0xbe: {  	[spmem:s2] =	stream.indirect.scatter.add.bf16 [tilespmem:s30], [sflag:$0xF], $0x40, s26, s28, $0xb8;
	[tilespmem:$0x15220] =	vst v63  }
0xbf: {  	p1 =	por @!p0 $0x0, $0x0;
	_ =	swait.ge @!p0 [sflag:s1], $0xA00  }
0xc0: {  	p1 =	por @p2 $0x1, $0x1;
	s26 =	simm.s32 @!p0 $0x28;
	[sflag:s1] =	ssyncset.done @!p0 $0x0  }
0xc1: {  	s30 =	simm.s32 @!p0 $0x6C20;
	[sflag:s1] =	ssyncadd.s32 @!p0 $0xFFFFF600;
	s1 =	sadd.s32 @!p0 $0x208, s31  }
0xc2: {  	[tilespmem:s30], [sflag:$0x4] =	stream.indirect.gather @!p0 [hbm4b:s4+s26], $0x40, s1, s26, $0xb8;
	[tilespmem:$0x15220] =	vst v63  }
0xc3: {  	s1 =	simm.s32 @p1 $0xE  }
0xc4: {  	_ =	swait.ge @p1 [sflag:s1], $0xA00  }
0xc5: {  	[sflag:s1] =	ssyncset.done @p1 $0x0  }
0xc6: {  	[sflag:s1] =	ssyncadd.s32 @p1 $0xFFFFF600  }
0xc7: {  	_ =	swait.ge [sflag:s16], $0xA00  }
0xc8: {  	[sflag:s16] =	ssyncset.done $0x0  }
0xc9: {  	s30 =	simm.s32 $0x8020;
	s1 =	sadd.s32 $0x27D8, s29;
	[sflag:s16] =	ssyncadd.s32 $0xFFFFF600  }
0xca: {  	[spmem:s2] =	stream.indirect.scatter.add.bf16 [tilespmem:s30], [sflag:$0x10], $0x40, s1, s28, $0xb8;
	[tilespmem:$0x15220] =	vst v63  }
0xcb: {  	s1 =	simm.s32 @!p0 $0xF  }
0xcc: {  	_ =	swait.ge @!p0 [sflag:s1], $0xA00  }
0xcd: {  	[sflag:s1] =	ssyncset.done @!p0 $0x0  }
0xce: {  	s30 =	simm.s32 @!p0 $0x7620;
	[sflag:s1] =	ssyncadd.s32 @!p0 $0xFFFFF600;
	s1 =	sadd.s32 @!p0 $0x230, s31  }
0xcf: {  	[tilespmem:s30], [sflag:$0x5] =	stream.indirect.gather @!p0 [hbm4b:s4+s26], $0x40, s1, s26, $0xb8;
	[tilespmem:$0x15220] =	vst v63  }
0xd0: {  	s1 =	sadd.s32 @!p0 $0xFFFFFF14, s7  }
0xd1: {  	p1 =	sgt.u32 @!p0 s1, $0x7FFFFF05  }
0xd2: {  	p3 =	por p0, !p1  }
0xd3: {  	_ =	swait.ge @p3 [sflag:s17], $0xA00  }
0xd4: {  	[sflag:s17] =	ssyncset.done @p3 $0x0  }
0xd5: {  	[sflag:s17] =	ssyncadd.s32 @p3 $0xFFFFF600  }
0xd6: {  	_ =	swait.ge [sflag:s18], $0xA00  }
0xd7: {  	[sflag:s18] =	ssyncset.done $0x0  }
0xd8: {  	s30 =	sadd.s32 $0x2800, s29;
	s1 =	simm.s32 @!p0 $0x10;
	[sflag:s18] =	ssyncadd.s32 $0xFFFFF600  }
0xd9: {  	[spmem:s2] =	stream.indirect.scatter.add.bf16 [tilespmem:s0], [sflag:$0x11], $0x40, s30, s28, $0xb8;
	[tilespmem:$0x15220] =	vst v63  }
0xda: {  	p2 =	por @!p0 $0x0, $0x0;
	_ =	swait.ge @!p0 [sflag:s1], $0xA00  }
0xdb: {  	p2 =	por @p3 $0x1, $0x1;
	[sflag:s1] =	ssyncset.done @!p0 $0x0  }
0xdc: {  	s30 =	simm.s32 @!p0 $0x8020;
	[sflag:s1] =	ssyncadd.s32 @!p0 $0xFFFFF600;
	s1 =	sadd.s32 @!p0 $0x258, s31  }
0xdd: {  	[tilespmem:s30], [sflag:$0x6] =	stream.indirect.gather @!p0 [hbm4b:s4+s26], $0x40, s1, s26, $0xb8;
	[tilespmem:$0x15220] =	vst v63  }
0xde: {  	s1 =	simm.s32 @p2 $0x10  }
0xdf: {  	_ =	swait.ge @p2 [sflag:s1], $0xA00  }
0xe0: {  	[sflag:s1] =	ssyncset.done @p2 $0x0  }
0xe1: {  	[sflag:s1] =	ssyncadd.s32 @p2 $0xFFFFF600  }
0xe2: {  	_ =	swait.ge [sflag:s19], $0xA00  }
0xe3: {  	[sflag:s19] =	ssyncset.done $0x0  }
0xe4: {  	s30 =	sadd.s32 $0x2828, s29;
	s1 =	simm.s32 @!p0 $0x11;
	[sflag:s19] =	ssyncadd.s32 $0xFFFFF600  }
0xe5: {  	[spmem:s2] =	stream.indirect.scatter.add.bf16 [tilespmem:s3], [sflag:$0x12], $0x40, s30, s28, $0xb8;
	[tilespmem:$0x15220] =	vst v63  }
0xe6: {  	_ =	swait.ge @!p0 [sflag:s1], $0xA00  }
0xe7: {  	[sflag:s1] =	ssyncset.done @!p0 $0x0  }
0xe8: {  	s30 =	simm.s32 @!p0 $0x8A20;
	[sflag:s1] =	ssyncadd.s32 @!p0 $0xFFFFF600;
	s1 =	sadd.s32 @!p0 $0x280, s31  }
0xe9: {  	[tilespmem:s30], [sflag:$0x7] =	stream.indirect.gather @!p0 [hbm4b:s4+s26], $0x40, s1, s26, $0xb8;
	[tilespmem:$0x15220] =	vst v63  }
0xea: {  	s1 =	sadd.s32 @!p0 $0xFFFFFF16, s7  }
0xeb: {  	p2 =	sgt.u32 @!p0 s1, $0x7FFFFF05  }
0xec: {  	p2 =	por p0, !p2  }
0xed: {  	_ =	swait.ge @p2 [sflag:s20], $0xA00  }
0xee: {  	[sflag:s20] =	ssyncset.done @p2 $0x0  }
0xef: {  	[sflag:s20] =	ssyncadd.s32 @p2 $0xFFFFF600  }
0xf0: {  	_ =	swait.ge [sflag:s21], $0xA00  }
0xf1: {  	[sflag:s21] =	ssyncset.done $0x0  }
0xf2: {  	s26 =	sadd.s32 $0x2850, s29;
	s1 =	simm.s32 @!p0 $0x12;
	[sflag:s21] =	ssyncadd.s32 $0xFFFFF600  }
0xf3: {  	[spmem:s2] =	stream.indirect.scatter.add.bf16 [tilespmem:s5], [sflag:$0x13], $0x40, s26, s28, $0xb8;
	[tilespmem:$0x15220] =	vst v63  }
0xf4: {  	p1 =	por @!p0 $0x0, $0x0;
	_ =	swait.ge @!p0 [sflag:s1], $0xA00  }
0xf5: {  	s30 =	simm.s32 @!p0 $0x9420;
	p1 =	por @p2 $0x1, $0x1;
	[sflag:s1] =	ssyncset.done @!p0 $0x0  }
0xf6: {  	s26 =	simm.s32 @!p0 $0x28;
	[sflag:s1] =	ssyncadd.s32 @!p0 $0xFFFFF600;
	s1 =	sadd.s32 @!p0 $0x2A8, s31  }
0xf7: {  	[tilespmem:s30], [sflag:$0x8] =	stream.indirect.gather @!p0 [hbm4b:s4+s26], $0x40, s1, s26, $0xb8;
	[tilespmem:$0x15220] =	vst v63  }
0xf8: {  	s1 =	simm.s32 @p1 $0x12  }
0xf9: {  	_ =	swait.ge @p1 [sflag:s1], $0xA00  }
0xfa: {  	[sflag:s1] =	ssyncset.done @p1 $0x0  }
0xfb: {  	[sflag:s1] =	ssyncadd.s32 @p1 $0xFFFFF600  }
0xfc: {  	_ =	swait.ge [sflag:s22], $0xA00  }
0xfd: {  	[sflag:s22] =	ssyncset.done $0x0  }
0xfe: {  	s30 =	sadd.s32 $0x2878, s29;
	s1 =	simm.s32 @!p0 $0x13;
	[sflag:s22] =	ssyncadd.s32 $0xFFFFF600  }
0xff: {  	[spmem:s2] =	stream.indirect.scatter.add.bf16 [tilespmem:s6], [sflag:$0x14], $0x40, s30, s28, $0xb8;
	[tilespmem:$0x15220] =	vst v63  }
0x100: {  	_ =	swait.ge @!p0 [sflag:s1], $0xA00  }
0x101: {  	[sflag:s1] =	ssyncset.done @!p0 $0x0  }
0x102: {  	s29 =	simm.s32 @!p0 $0x9E20;
	[sflag:s1] =	ssyncadd.s32 @!p0 $0xFFFFF600;
	s1 =	sadd.s32 @!p0 $0x2D0, s31  }
0x103: {  	[tilespmem:s29], [sflag:$0x9] =	stream.indirect.gather @!p0 [hbm4b:s4+s26], $0x40, s1, s26, $0xb8;
	[tilespmem:$0x15220] =	vst v63  }
0x104: {  	s1 =	sadd.s32 @!p0 $0xFFFFFF18, s7  }
0x105: {  	p1 =	sgt.u32 @!p0 s1, $0x7FFFFF05  }
0x106: {  	p0 =	por p0, !p1  }
0x107: {  	_ =	swait.ge @p0 [sflag:s23], $0xA00  }
0x108: {  	s24 =	sadd.s32 $0x640, s24;
	[sflag:s23] =	ssyncset.done @p0 $0x0  }
0x109: {  	[sflag:s23] =	ssyncadd.s32 @p0 $0xFFFFF600;
	p0 =	sne.s32 s24, $0x9C40  }
.Ltmp1:
0x10a: {  	_ = 	snop;
	(pc) =	sbr.rel @p0 .LBB2_4-.Ltmp1, $2  }
0x10b: {  	_ =	sdelay $0x2  }
0x10c: {  	s7 =	sadd.s32 $0xA, s7  }
0x10d: {  	s1 =	simm.s32 $0x14  }
0x10e: {  	_ =	swait.ge [sflag:s1], $0xA00  }
0x10f: {  	[sflag:s1] =	ssyncset.done $0x0  }
0x110: {  	[sflag:s1] =	ssyncadd.s32 $0xFFFFF600  }
0x111: {  	s26 =	stileid.u32;
	[bflag:$0x0] =	sbarrier.arrive $0xFFFF  }
0x112: {  	s1 =	sshll.u32 s26, $0x6;
	s29 =	rddreg [dreg:$0x6]  }
0x113: {  	s1 =	sor.u32 $0x1C15, s1;
	s24 =	rddreg [dreg:$0x17];
	s7 =	sshrl.u32 s29, $0x3  }
0x114: {  	[hbm:s24], [sflag:s1] =	dma.local [spmem:s7], $0x1400  }
0x115: {  	_ =	swait.ge [sflag:s25], $0x1400  }
0x116: {  	s30 =	rddreg [dreg:$0x18]  }
0x117: {  	s31 =	rddreg [dreg:$0x16];
	s7 =	sadd.s32 $0x1, s30  }
0x118: {  	p0 =	sne.s32 s7, s31  }
.Ltmp2:
0x119: {  	_ = 	snop;
	(pc) =	sbr.rel @p0 .LBB2_1-.Ltmp2, $3  }
0x11a: {  	_ =	sdelay $0x1  }
0x11b: {  	[sflag:s25] =	ssyncset.done $0x0  }
0x11c: {  	[sflag:s25] =	ssyncadd.s32 $0xFFFFEC00  }
0x11d: {  	_ =	sfence.sel $0x180000  }
0x11e: {  	[bflag:$0x0] =	sbarrier.arrive $0xFFFF  }
0x11f: {  	_ =	strace $0x90000047  }
0x120: {  	s0 =	stileid.u32;
	[bflag:$0x2] =	sbarrier.arrive $0xFFFF  }
0x121: {  	p0 =	sne.s32 s0, $0x0;
	s0 =	rddreg [dreg:$0x3]  }
0x122: {  	s0 =	sadd.s32 @!p0 $0x100000, s0  }
0x123: {  	[sflag:s0] =	ssyncadd.tile.s32 @!p0 $0x1;
	_ =	shalt  }
.Lfunc_end2:
_tile_overlayer_lowered:
.L_overlay_start_2:
0x124: {  	(tag) =	ssettag $0x2  }
0x125: {  	s0 =	rddreg [dreg:$0x0];
	s2 =	stileid.u32  }
0x126: {  	s1 =	rddreg [dreg:$0x1];
	p0 =	sne.s32 s2, $0x0  }
0x127: {  	s3 =	rddreg [dreg:$0x2];
	[bflag:$0x3] =	sbarrier.arrive $0xFFFF;
	s2 =	simm.s32 @!p0 $0x1C15  }
0x128: {  	[timem:s3], [sflag:s2] =	dma.local @!p0 [hbm:s0], s1  }
0x129: {  	s0 =	simm.s32 @!p0 $0x15  }
0x12a: {  	_ =	swait.ge @!p0 [sflag:s0], s1  }
0x12b: {  	s1 =	ssub.s32 @!p0 $0x0, s1;
	[sflag:s0] =	ssyncset.done @!p0 $0x0  }
0x12c: {  	[sflag:s0] =	ssyncadd.s32 @!p0 s1  }
0x12d: {  	[bflag:$0x3] =	sbarrier.arrive $0xFFFF  }
0x12e: {  	_ =	shalt  }

</sc_bundles>
